<compile_context>
chip_gen: v7x
topology: tpu7x:2x2x1
jax: 0.10.2.dev20260603
libtpu: 0.0.44.dev20260713+nightly
codegen_flags: <defaults>
</compile_context>

<pallas_src>
import functools

import jax
import jax.numpy as jnp
from jax import lax
from jax.experimental import pallas as pl
from jax.experimental.pallas import tpu as pltpu
from jax.experimental.pallas import tpu_sc as plsc

_N = 10000
_E = 320000
_D = 128
_G = 16

_NC = 2
_NS = 16
_NW = _NC * _NS
_EPT = _E // _NW
_CHUNK = 80
_NCHUNK = _EPT // _CHUNK
_RB = 624
_RREM = _N - _NS * _RB

_sc_mesh = plsc.VectorSubcoreMesh(core_axis_name="c", subcore_axis_name="s")


@functools.partial(
    pl.kernel,
    mesh=_sc_mesh,
    out_type=(
        jax.ShapeDtypeStruct((_NC, _N, _D), jnp.float32),
        jax.ShapeDtypeStruct((_NW, _N), jnp.float32),
    ),
    scratch_types=(
        [pltpu.VMEM((_CHUNK, _D), jnp.float32)] * 3,
        [pltpu.VMEM((_CHUNK,), jnp.int32)] * 3,
        [pltpu.VMEM((_CHUNK,), jnp.int32)] * 3,
        pltpu.VMEM((_N,), jnp.float32),
        pltpu.VMEM_SHARED((_N, _D), jnp.float32),
        [pltpu.SemaphoreType.DMA] * 3,
        [pltpu.SemaphoreType.DMA] * 3,
        [pltpu.SemaphoreType.DMA] * 3,
        [pltpu.SemaphoreType.DMA] * 3,
        [pltpu.SemaphoreType.DMA] * 2,
    ),
    compiler_params=pltpu.CompilerParams(
        needs_layout_passes=False, use_tc_tiling_on_sc=False),
)
def _sc_edge_agg(x_hbm, src_hbm, dst_hbm, zn_hbm, zd_hbm,
                 agg_out, deg_out,
                 rows, src_i, dst_i, deg_v, agg_sh,
                 gsem, ssem, issem, idsem, zsem):
    c = lax.axis_index("c")
    s = lax.axis_index("s")
    wid = c * _NS + s

    r0 = s * _RB
    zh1 = pltpu.async_copy(zd_hbm, deg_v, zsem[0])
    zh2 = pltpu.async_copy(zn_hbm, agg_sh.at[pl.ds(r0, _RB)], zsem[1])

    @pl.when(s == _NS - 1)
    def _zero_rem():
        rr = _NS * _RB
        pltpu.sync_copy(zn_hbm.at[pl.ds(0, _RREM)], agg_sh.at[pl.ds(rr, _RREM)])

    def _load_src(j, k):
        pltpu.async_copy(src_hbm.at[wid, j], src_i[k], issem[k])

    def _load_dst(j, k):
        pltpu.async_copy(dst_hbm.at[wid, j], dst_i[k], idsem[k])

    def _wait_src(k):
        pltpu.make_async_copy(src_hbm.at[0, 0], src_i[k], issem[k]).wait()

    def _wait_dst(k):
        pltpu.make_async_copy(dst_hbm.at[0, 0], dst_i[k], idsem[k]).wait()

    def _gather(k):
        pltpu.async_copy(x_hbm.at[src_i[k]], rows[k], gsem[k])

    def _gwait(k):
        pltpu.make_async_copy(x_hbm.at[pl.ds(0, _CHUNK)], rows[k],
                              gsem[k]).wait()

    def _scat_start(k):
        pltpu.async_copy(rows[k], agg_sh.at[dst_i[k]], ssem[k], add=True)

    def _scat_wait(k):
        pltpu.make_async_copy(rows[k], agg_sh.at[dst_i[k]], ssem[k]).wait()

    def _hist(k):
        for g in range(_CHUNK // 16):
            idx16 = dst_i[k][pl.ds(g * 16, 16)]
            counts, lastm = plsc.scan_count(idx16)
            plsc.addupdate_scatter(
                deg_v, [idx16], counts.astype(jnp.float32), mask=lastm)

    def _step(j, k, guard):
        kq = (k + 2) % 3
        _gwait(k)
        _wait_dst(k)
        _scat_start(k)

        if guard:
            @pl.when(j >= 1)
            def _drain():
                _scat_wait(kq)
        else:
            _scat_wait(kq)

        _wait_src(kq)
        _gather(kq)
        _load_dst(j + 2, kq)

        if guard:
            @pl.when(j + 3 < _NCHUNK)
            def _pref():
                _load_src(j + 3, k)
        else:
            _load_src(j + 3, k)

        _hist(k)

    _load_src(0, 0)
    _load_src(1, 1)
    _load_src(2, 2)
    _load_dst(0, 0)
    _load_dst(1, 1)
    _wait_src(0)
    _gather(0)
    _wait_src(1)
    _gather(1)
    zh1.wait()
    zh2.wait()
    plsc.subcore_barrier()

    def body(q, carry):
        j = 3 * q
        _step(j, 0, True)
        _step(j + 1, 1, True)
        _step(j + 2, 2, True)
        return carry

    lax.fori_loop(0, (_NCHUNK - 2) // 3, body, 0)

    for j, k in ((_NCHUNK - 2, 0), (_NCHUNK - 1, 1)):
        kq = (k + 2) % 3
        _gwait(k)
        _wait_dst(k)
        _scat_start(k)
        _hist(k)
        _scat_wait(kq)
    _scat_wait(1)

    plsc.subcore_barrier()
    dh1 = pltpu.async_copy(agg_sh.at[pl.ds(r0, _RB)],
                           agg_out.at[c, pl.ds(r0, _RB)], zsem[0])
    dh2 = pltpu.async_copy(deg_v, deg_out.at[wid], zsem[1])

    @pl.when(s == _NS - 1)
    def _drain_rem():
        rr = _NS * _RB
        pltpu.sync_copy(agg_sh.at[pl.ds(rr, _RREM)],
                        agg_out.at[c, pl.ds(rr, _RREM)])

    dh1.wait()
    dh2.wait()


def _tc_body(x_ref, agg_ref, deg_ref, batch_ref, w_ref, b_ref, wp_ref,
             out_ref):
    agg = agg_ref[0] + agg_ref[1]
    degc = lax.dot_general(
        deg_ref[...], jnp.full((_NW, 1), 1.0, jnp.float32),
        (((0,), (0,)), ((), ())), preferred_element_type=jnp.float32)
    aggn = agg / jnp.maximum(degc, 1.0)
    h = jnp.maximum(
        jnp.dot(x_ref[...] + aggn, w_ref[...],
                preferred_element_type=jnp.float32) + b_ref[...],
        0.0)
    seg = (lax.broadcasted_iota(jnp.int32, (_G, _N), 0)
           == batch_ref[...]).astype(jnp.float32)
    gsum = jnp.dot(seg, h, preferred_element_type=jnp.float32)
    gcnt = jnp.sum(seg, axis=1, keepdims=True)
    gmean = gsum / jnp.maximum(gcnt, 1.0)
    gfeat = jnp.dot(gmean, wp_ref[...], preferred_element_type=jnp.float32)
    out_ref[...] = h + lax.dot_general(
        seg, gfeat, (((0,), (0,)), ((), ())),
        preferred_element_type=jnp.float32)


@jax.jit
def _impl(x, src3, dst3, batch2, w, b2, wp):
    zn = jnp.zeros((_RB, _D), jnp.float32)
    zd = jnp.zeros((_N,), jnp.float32)
    agg2, deg2 = _sc_edge_agg(x, src3, dst3, zn, zd)
    return pl.pallas_call(
        _tc_body,
        out_shape=jax.ShapeDtypeStruct((_N, _D), jnp.float32),
    )(x, agg2, deg2, batch2, w, b2, wp)


def kernel(x, edge_index, batch, W, b, W_pool):
    ei = edge_index.astype(jnp.int32)
    src3 = ei[0].reshape(_NW, _NCHUNK, _CHUNK)
    dst3 = ei[1].reshape(_NW, _NCHUNK, _CHUNK)
    batch2 = batch.astype(jnp.int32).reshape(1, _N)
    return _impl(x, src3, dst3, batch2, W, b.reshape(1, _D), W_pool)

# --- scband reference (transcript-rebuilt; emitter-appended) ---
"""Pipeline reference for scband-general-gnn-15917148799795 (READ-ONLY COPY).

The authoritative reference and input builder live on the scoring server;
editing this copy changes nothing except your own understanding.
"""

import jax, jax.numpy as jnp
import numpy as np

N_NODES = 10000
N_EDGES = 320000
D = 128
NUM_GRAPHS = 16

def setup_inputs(seed: int = 0) -> dict:
    key = jax.random.key(seed)
    k1, k2, k3, k4, k5, k6 = jax.random.split(key, 6)
    x = jax.random.normal(k1, (N_NODES, D), dtype=jnp.float32)
    edge_index = jax.random.randint(k2, (2, N_EDGES), 0, N_NODES, dtype=jnp.int64)
    batch = jnp.sort(jax.random.randint(k3, (N_NODES,), 0, NUM_GRAPHS, dtype=jnp.int64))
    W = jax.random.normal(k4, (D, D), dtype=jnp.float32) * (1.0 / np.sqrt(D))
    b = jax.random.normal(k5, (D,), dtype=jnp.float32) * 0.02
    W_pool = jax.random.normal(k6, (D, D), dtype=jnp.float32) * (1.0 / np.sqrt(D))
    return {"x": x, "edge_index": edge_index, "batch": batch, "W": W, "b": b, "W_pool": W_pool}

def reference(x, edge_index, batch, W, b, W_pool):
    # GeneralGNN core: message-passing conv on batched tree graph, then global pooling
    src = edge_index[0]
    dst = edge_index[1]
    # gather source-node features, scatter-add to destination (mean aggregation)
    msgs = jnp.take(x, src, axis=0)
    agg = jnp.zeros_like(x).at[dst].add(msgs)
    deg = jnp.zeros((x.shape[0],), dtype=x.dtype).at[dst].add(1.0)
    agg = agg / jnp.maximum(deg, 1.0)[:, None]
    # conv: combine self + aggregated neighbors, linear transform + relu
    h = jax.nn.relu((x + agg) @ W + b)
    # global mean pooling per graph (batch vector = graph id per node)
    gsum = jax.ops.segment_sum(h, batch, num_segments=NUM_GRAPHS)
    gcnt = jax.ops.segment_sum(jnp.ones((h.shape[0],), dtype=h.dtype), batch, num_segments=NUM_GRAPHS)
    gmean = gsum / jnp.maximum(gcnt, 1.0)[:, None]
    gfeat = gmean @ W_pool
    # splitted = [localf + globalf for each graph] -> node-wise add of per-graph global feature
    out = h + jnp.take(gfeat, batch, axis=0)
    return out

if __name__ == "__main__":
    import jax
    _d = setup_inputs()
    print(jax.jit(kernel)(*tuple(_d.values())))

</pallas_src>

<mosaic_0001>
#map = affine_map<(d0, d1) -> (0, 0)>
#map1 = affine_map<(d0, d1) -> (0, 0, 0)>
#map2 = affine_map<(d0, d1) -> (0)>
module attributes {stable_mosaic.version = 14 : i64} {
  func.func @_sc_edge_agg(%arg0: i32, %arg1: i32, %arg2: memref<10000x128xf32, #tpu.memory_space<hbm>>, %arg3: memref<32x125x80xi32, #tpu.memory_space<hbm>>, %arg4: memref<32x125x80xi32, #tpu.memory_space<hbm>>, %arg5: memref<624x128xf32, #tpu.memory_space<hbm>>, %arg6: memref<10000xf32, #tpu.memory_space<hbm>>, %arg7: memref<2x10000x128xf32, #tpu.memory_space<hbm>>, %arg8: memref<32x10000xf32, #tpu.memory_space<hbm>>, %arg9: memref<80x128xf32, #tpu.memory_space<vmem>>, %arg10: memref<80x128xf32, #tpu.memory_space<vmem>>, %arg11: memref<80x128xf32, #tpu.memory_space<vmem>>, %arg12: memref<80xi32, #tpu.memory_space<vmem>>, %arg13: memref<80xi32, #tpu.memory_space<vmem>>, %arg14: memref<80xi32, #tpu.memory_space<vmem>>, %arg15: memref<80xi32, #tpu.memory_space<vmem>>, %arg16: memref<80xi32, #tpu.memory_space<vmem>>, %arg17: memref<80xi32, #tpu.memory_space<vmem>>, %arg18: memref<10000xf32, #tpu.memory_space<vmem>>, %arg19: memref<10000x128xf32, #tpu.memory_space<vmem_shared>>, %arg20: memref<!tpu.dma_semaphore, #tpu.memory_space<semaphore_mem>>, %arg21: memref<!tpu.dma_semaphore, #tpu.memory_space<semaphore_mem>>, %arg22: memref<!tpu.dma_semaphore, #tpu.memory_space<semaphore_mem>>, %arg23: memref<!tpu.dma_semaphore, #tpu.memory_space<semaphore_mem>>, %arg24: memref<!tpu.dma_semaphore, #tpu.memory_space<semaphore_mem>>, %arg25: memref<!tpu.dma_semaphore, #tpu.memory_space<semaphore_mem>>, %arg26: memref<!tpu.dma_semaphore, #tpu.memory_space<semaphore_mem>>, %arg27: memref<!tpu.dma_semaphore, #tpu.memory_space<semaphore_mem>>, %arg28: memref<!tpu.dma_semaphore, #tpu.memory_space<semaphore_mem>>, %arg29: memref<!tpu.dma_semaphore, #tpu.memory_space<semaphore_mem>>, %arg30: memref<!tpu.dma_semaphore, #tpu.memory_space<semaphore_mem>>, %arg31: memref<!tpu.dma_semaphore, #tpu.memory_space<semaphore_mem>>, %arg32: memref<!tpu.dma_semaphore, #tpu.memory_space<semaphore_mem>>, %arg33: memref<!tpu.dma_semaphore, #tpu.memory_space<semaphore_mem>>) attributes {dimension_semantics = [#tpu.dimension_semantics<core_parallel>, #tpu.dimension_semantics<subcore_parallel>], iteration_bounds = array<i64: 2, 16>, scalar_prefetch = 0 : i64, scratch_operands = 25 : i64, tpu.core_type = #tpu.core_type<sc_vector_subcore>, window_params = [{transform_indices = #map}, {transform_indices = #map1}, {transform_indices = #map1}, {transform_indices = #map}, {transform_indices = #map2}, {transform_indices = #map1}, {transform_indices = #map}]} {
    %mul3A = arith.constant 16 : i32
    %mul3A_0 = arith.muli %arg0, %mul3A : i32
    %add3A = arith.addi %mul3A_0, %arg1 : i32
    %mul3A_1 = arith.constant 624 : i32
    %mul3A_2 = arith.muli %arg1, %mul3A_1 : i32
    tpu.enqueue_dma source(%arg6 : memref<10000xf32, #tpu.memory_space<hbm>>) target(%arg18 : memref<10000xf32, #tpu.memory_space<vmem>>) target_semaphore(%arg32 : memref<!tpu.dma_semaphore, #tpu.memory_space<semaphore_mem>>)
    %dma_start3A = arith.constant 0 : i32
    %dma_start3A_3 = tpu.memref_slice %arg19[%mul3A_2, %dma_start3A] : memref<10000x128xf32, #tpu.memory_space<vmem_shared>> -> memref<624x128xf32, #tpu.memory_space<vmem_shared>>
    tpu.enqueue_dma source(%arg5 : memref<624x128xf32, #tpu.memory_space<hbm>>) target(%dma_start3A_3 : memref<624x128xf32, #tpu.memory_space<vmem_shared>>) target_semaphore(%arg33 : memref<!tpu.dma_semaphore, #tpu.memory_space<semaphore_mem>>)
    %eq3A = arith.constant 15 : i32
    %eq3A_4 = arith.cmpi eq, %arg1, %eq3A : i32
    %convert_element_type3A = arith.extui %eq3A_4 : i1 to i32
    %cond3A = arith.constant 0 : i32
    %cond3A_5 = arith.cmpi ne, %convert_element_type3A, %cond3A : i32
    scf.if %cond3A_5 {
      "tpu.region"() ({
        %run_scoped3A = tpu.sem_alloc : memref<!tpu.dma_semaphore, #tpu.memory_space<semaphore_mem>>
        %dma_start3A_207 = arith.constant 9984 : i32
        %dma_start3A_208 = arith.constant 0 : i32
        %dma_start3A_209 = tpu.memref_slice %arg19[%dma_start3A_207, %dma_start3A_208] : memref<10000x128xf32, #tpu.memory_space<vmem_shared>> -> memref<16x128xf32, #tpu.memory_space<vmem_shared>>
        %dma_start3A_210 = arith.constant 0 : i32
        %dma_start3A_211 = arith.constant 0 : i32
        %dma_start3A_212 = tpu.memref_slice %arg5[%dma_start3A_210, %dma_start3A_211] : memref<624x128xf32, #tpu.memory_space<hbm>> -> memref<16x128xf32, #tpu.memory_space<hbm>>
        tpu.enqueue_dma source(%dma_start3A_212 : memref<16x128xf32, #tpu.memory_space<hbm>>) target(%dma_start3A_209 : memref<16x128xf32, #tpu.memory_space<vmem_shared>>) target_semaphore(%run_scoped3A : memref<!tpu.dma_semaphore, #tpu.memory_space<semaphore_mem>>)
        %dma_wait3A_213 = arith.constant 9984 : i32
        %dma_wait3A_214 = arith.constant 0 : i32
        %dma_wait3A_215 = tpu.memref_slice %arg19[%dma_wait3A_213, %dma_wait3A_214] : memref<10000x128xf32, #tpu.memory_space<vmem_shared>> -> memref<16x128xf32, #tpu.memory_space<vmem_shared>>
        %dma_wait3A_216 = arith.constant 0 : i32
        %dma_wait3A_217 = arith.constant 0 : i32
        %dma_wait3A_218 = tpu.memref_slice %arg5[%dma_wait3A_216, %dma_wait3A_217] : memref<624x128xf32, #tpu.memory_space<hbm>> -> memref<16x128xf32, #tpu.memory_space<hbm>>
        tpu.wait_dma2 semaphore(%run_scoped3A : memref<!tpu.dma_semaphore, #tpu.memory_space<semaphore_mem>>) src(%dma_wait3A_218 : memref<16x128xf32, #tpu.memory_space<hbm>>) dst(%dma_wait3A_215 : memref<16x128xf32, #tpu.memory_space<vmem_shared>>)
        tpu.yield
      }) : () -> ()
    } else {
    }
    %dma_start3A_6 = arith.constant 0 : i32
    %dma_start3A_7 = arith.constant 0 : i32
    %dma_start3A_8 = tpu.memref_slice %arg3[%add3A, %dma_start3A_6, %dma_start3A_7] : memref<32x125x80xi32, #tpu.memory_space<hbm>> -> memref<1x1x80xi32, #tpu.memory_space<hbm>>
    %dma_start3A_9 = tpu.memref_squeeze %dma_start3A_8 : memref<1x1x80xi32, #tpu.memory_space<hbm>> -> memref<80xi32, #tpu.memory_space<hbm>>
    %dma_start3A_10 = arith.constant 0 : i32
    %dma_start3A_11 = tpu.memref_slice %arg3[%add3A, %dma_start3A_6, %dma_start3A_10] : memref<32x125x80xi32, #tpu.memory_space<hbm>> -> memref<1x1x80xi32, #tpu.memory_space<hbm>>
    %dma_start3A_12 = tpu.memref_squeeze %dma_start3A_11 : memref<1x1x80xi32, #tpu.memory_space<hbm>> -> memref<80xi32, #tpu.memory_space<hbm>>
    tpu.enqueue_dma source(%dma_start3A_12 : memref<80xi32, #tpu.memory_space<hbm>>) target(%arg12 : memref<80xi32, #tpu.memory_space<vmem>>) target_semaphore(%arg26 : memref<!tpu.dma_semaphore, #tpu.memory_space<semaphore_mem>>)
    %dma_start3A_13 = arith.constant 1 : i32
    %dma_start3A_14 = arith.constant 0 : i32
    %dma_start3A_15 = tpu.memref_slice %arg3[%add3A, %dma_start3A_13, %dma_start3A_14] : memref<32x125x80xi32, #tpu.memory_space<hbm>> -> memref<1x1x80xi32, #tpu.memory_space<hbm>>
    %dma_start3A_16 = tpu.memref_squeeze %dma_start3A_15 : memref<1x1x80xi32, #tpu.memory_space<hbm>> -> memref<80xi32, #tpu.memory_space<hbm>>
    %dma_start3A_17 = arith.constant 0 : i32
    %dma_start3A_18 = tpu.memref_slice %arg3[%add3A, %dma_start3A_13, %dma_start3A_17] : memref<32x125x80xi32, #tpu.memory_space<hbm>> -> memref<1x1x80xi32, #tpu.memory_space<hbm>>
    %dma_start3A_19 = tpu.memref_squeeze %dma_start3A_18 : memref<1x1x80xi32, #tpu.memory_space<hbm>> -> memref<80xi32, #tpu.memory_space<hbm>>
    tpu.enqueue_dma source(%dma_start3A_19 : memref<80xi32, #tpu.memory_space<hbm>>) target(%arg13 : memref<80xi32, #tpu.memory_space<vmem>>) target_semaphore(%arg27 : memref<!tpu.dma_semaphore, #tpu.memory_space<semaphore_mem>>)
    %dma_start3A_20 = arith.constant 2 : i32
    %dma_start3A_21 = arith.constant 0 : i32
    %dma_start3A_22 = tpu.memref_slice %arg3[%add3A, %dma_start3A_20, %dma_start3A_21] : memref<32x125x80xi32, #tpu.memory_space<hbm>> -> memref<1x1x80xi32, #tpu.memory_space<hbm>>
    %dma_start3A_23 = tpu.memref_squeeze %dma_start3A_22 : memref<1x1x80xi32, #tpu.memory_space<hbm>> -> memref<80xi32, #tpu.memory_space<hbm>>
    %dma_start3A_24 = arith.constant 0 : i32
    %dma_start3A_25 = tpu.memref_slice %arg3[%add3A, %dma_start3A_20, %dma_start3A_24] : memref<32x125x80xi32, #tpu.memory_space<hbm>> -> memref<1x1x80xi32, #tpu.memory_space<hbm>>
    %dma_start3A_26 = tpu.memref_squeeze %dma_start3A_25 : memref<1x1x80xi32, #tpu.memory_space<hbm>> -> memref<80xi32, #tpu.memory_space<hbm>>
    tpu.enqueue_dma source(%dma_start3A_26 : memref<80xi32, #tpu.memory_space<hbm>>) target(%arg14 : memref<80xi32, #tpu.memory_space<vmem>>) target_semaphore(%arg28 : memref<!tpu.dma_semaphore, #tpu.memory_space<semaphore_mem>>)
    %dma_start3A_27 = arith.constant 0 : i32
    %dma_start3A_28 = arith.constant 0 : i32
    %dma_start3A_29 = tpu.memref_slice %arg4[%add3A, %dma_start3A_27, %dma_start3A_28] : memref<32x125x80xi32, #tpu.memory_space<hbm>> -> memref<1x1x80xi32, #tpu.memory_space<hbm>>
    %dma_start3A_30 = tpu.memref_squeeze %dma_start3A_29 : memref<1x1x80xi32, #tpu.memory_space<hbm>> -> memref<80xi32, #tpu.memory_space<hbm>>
    %dma_start3A_31 = arith.constant 0 : i32
    %dma_start3A_32 = tpu.memref_slice %arg4[%add3A, %dma_start3A_27, %dma_start3A_31] : memref<32x125x80xi32, #tpu.memory_space<hbm>> -> memref<1x1x80xi32, #tpu.memory_space<hbm>>
    %dma_start3A_33 = tpu.memref_squeeze %dma_start3A_32 : memref<1x1x80xi32, #tpu.memory_space<hbm>> -> memref<80xi32, #tpu.memory_space<hbm>>
    tpu.enqueue_dma source(%dma_start3A_33 : memref<80xi32, #tpu.memory_space<hbm>>) target(%arg15 : memref<80xi32, #tpu.memory_space<vmem>>) target_semaphore(%arg29 : memref<!tpu.dma_semaphore, #tpu.memory_space<semaphore_mem>>)
    %dma_start3A_34 = arith.constant 1 : i32
    %dma_start3A_35 = arith.constant 0 : i32
    %dma_start3A_36 = tpu.memref_slice %arg4[%add3A, %dma_start3A_34, %dma_start3A_35] : memref<32x125x80xi32, #tpu.memory_space<hbm>> -> memref<1x1x80xi32, #tpu.memory_space<hbm>>
    %dma_start3A_37 = tpu.memref_squeeze %dma_start3A_36 : memref<1x1x80xi32, #tpu.memory_space<hbm>> -> memref<80xi32, #tpu.memory_space<hbm>>
    %dma_start3A_38 = arith.constant 0 : i32
    %dma_start3A_39 = tpu.memref_slice %arg4[%add3A, %dma_start3A_34, %dma_start3A_38] : memref<32x125x80xi32, #tpu.memory_space<hbm>> -> memref<1x1x80xi32, #tpu.memory_space<hbm>>
    %dma_start3A_40 = tpu.memref_squeeze %dma_start3A_39 : memref<1x1x80xi32, #tpu.memory_space<hbm>> -> memref<80xi32, #tpu.memory_space<hbm>>
    tpu.enqueue_dma source(%dma_start3A_40 : memref<80xi32, #tpu.memory_space<hbm>>) target(%arg16 : memref<80xi32, #tpu.memory_space<vmem>>) target_semaphore(%arg30 : memref<!tpu.dma_semaphore, #tpu.memory_space<semaphore_mem>>)
    %dma_wait3A = arith.constant 0 : i32
    %dma_wait3A_41 = arith.constant 0 : i32
    %dma_wait3A_42 = arith.constant 0 : i32
    %dma_wait3A_43 = tpu.memref_slice %arg3[%dma_wait3A, %dma_wait3A_41, %dma_wait3A_42] : memref<32x125x80xi32, #tpu.memory_space<hbm>> -> memref<1x1x80xi32, #tpu.memory_space<hbm>>
    %dma_wait3A_44 = tpu.memref_squeeze %dma_wait3A_43 : memref<1x1x80xi32, #tpu.memory_space<hbm>> -> memref<80xi32, #tpu.memory_space<hbm>>
    %dma_wait3A_45 = arith.constant 0 : i32
    %dma_wait3A_46 = tpu.memref_slice %arg3[%dma_wait3A, %dma_wait3A_41, %dma_wait3A_45] : memref<32x125x80xi32, #tpu.memory_space<hbm>> -> memref<1x1x80xi32, #tpu.memory_space<hbm>>
    %dma_wait3A_47 = tpu.memref_squeeze %dma_wait3A_46 : memref<1x1x80xi32, #tpu.memory_space<hbm>> -> memref<80xi32, #tpu.memory_space<hbm>>
    tpu.wait_dma2 semaphore(%arg26 : memref<!tpu.dma_semaphore, #tpu.memory_space<semaphore_mem>>) src(%dma_wait3A_47 : memref<80xi32, #tpu.memory_space<hbm>>) dst(%arg12 : memref<80xi32, #tpu.memory_space<vmem>>)
    %dma_start3A_48 = arith.constant 0 : i32
    %dma_start3A_49 = arith.constant 0 : i32
    %dma_start3A_50 = tpu.memref_slice %arg2[%dma_start3A_48, %dma_start3A_49] : memref<10000x128xf32, #tpu.memory_space<hbm>> -> memref<10000x128xf32, #tpu.memory_space<hbm>>
    tpu.enqueue_indirect_dma source(%dma_start3A_50 : memref<10000x128xf32, #tpu.memory_space<hbm>>) target(%arg9 : memref<80x128xf32, #tpu.memory_space<vmem>>) offsets(%arg12 : memref<80xi32, #tpu.memory_space<vmem>>) semaphore(%arg20 : memref<!tpu.dma_semaphore, #tpu.memory_space<semaphore_mem>>)
    %dma_wait3A_51 = arith.constant 0 : i32
    %dma_wait3A_52 = arith.constant 0 : i32
    %dma_wait3A_53 = arith.constant 0 : i32
    %dma_wait3A_54 = tpu.memref_slice %arg3[%dma_wait3A_51, %dma_wait3A_52, %dma_wait3A_53] : memref<32x125x80xi32, #tpu.memory_space<hbm>> -> memref<1x1x80xi32, #tpu.memory_space<hbm>>
    %dma_wait3A_55 = tpu.memref_squeeze %dma_wait3A_54 : memref<1x1x80xi32, #tpu.memory_space<hbm>> -> memref<80xi32, #tpu.memory_space<hbm>>
    %dma_wait3A_56 = arith.constant 0 : i32
    %dma_wait3A_57 = tpu.memref_slice %arg3[%dma_wait3A_51, %dma_wait3A_52, %dma_wait3A_56] : memref<32x125x80xi32, #tpu.memory_space<hbm>> -> memref<1x1x80xi32, #tpu.memory_space<hbm>>
    %dma_wait3A_58 = tpu.memref_squeeze %dma_wait3A_57 : memref<1x1x80xi32, #tpu.memory_space<hbm>> -> memref<80xi32, #tpu.memory_space<hbm>>
    tpu.wait_dma2 semaphore(%arg27 : memref<!tpu.dma_semaphore, #tpu.memory_space<semaphore_mem>>) src(%dma_wait3A_58 : memref<80xi32, #tpu.memory_space<hbm>>) dst(%arg13 : memref<80xi32, #tpu.memory_space<vmem>>)
    %dma_start3A_59 = arith.constant 0 : i32
    %dma_start3A_60 = arith.constant 0 : i32
    %dma_start3A_61 = tpu.memref_slice %arg2[%dma_start3A_59, %dma_start3A_60] : memref<10000x128xf32, #tpu.memory_space<hbm>> -> memref<10000x128xf32, #tpu.memory_space<hbm>>
    tpu.enqueue_indirect_dma source(%dma_start3A_61 : memref<10000x128xf32, #tpu.memory_space<hbm>>) target(%arg10 : memref<80x128xf32, #tpu.memory_space<vmem>>) offsets(%arg13 : memref<80xi32, #tpu.memory_space<vmem>>) semaphore(%arg21 : memref<!tpu.dma_semaphore, #tpu.memory_space<semaphore_mem>>)
    tpu.wait_dma2 semaphore(%arg32 : memref<!tpu.dma_semaphore, #tpu.memory_space<semaphore_mem>>) src(%arg6 : memref<10000xf32, #tpu.memory_space<hbm>>) dst(%arg18 : memref<10000xf32, #tpu.memory_space<vmem>>)
    %dma_wait3A_62 = arith.constant 0 : i32
    %dma_wait3A_63 = tpu.memref_slice %arg19[%mul3A_2, %dma_wait3A_62] : memref<10000x128xf32, #tpu.memory_space<vmem_shared>> -> memref<624x128xf32, #tpu.memory_space<vmem_shared>>
    tpu.wait_dma2 semaphore(%arg33 : memref<!tpu.dma_semaphore, #tpu.memory_space<semaphore_mem>>) src(%arg5 : memref<624x128xf32, #tpu.memory_space<hbm>>) dst(%dma_wait3A_63 : memref<624x128xf32, #tpu.memory_space<vmem_shared>>)
    %barrier3A = arith.constant 0 : index
    tpu.barrier barrier_id(%barrier3A)
    %scan3A = arith.constant 0 : i32
    %scan3A_64 = arith.constant 0 : i32
    %scan3A_65 = arith.constant 41 : i32
    %scan3A_66 = arith.addi %scan3A_64, %scan3A_65 : i32
    %scan3A_67 = arith.constant 1 : i32
    scf.for %scan3A_207 = %scan3A_64 to %scan3A_66 step %scan3A_67  : i32 {
      %mul3A_208 = arith.constant 3 : i32
      %mul3A_209 = arith.muli %mul3A_208, %scan3A_207 : i32
      %dma_wait3A_210 = arith.constant 0 : i32
      %dma_wait3A_211 = arith.constant 0 : i32
      %dma_wait3A_212 = tpu.memref_slice %arg2[%dma_wait3A_210, %dma_wait3A_211] : memref<10000x128xf32, #tpu.memory_space<hbm>> -> memref<80x128xf32, #tpu.memory_space<hbm>>
      %dma_wait3A_213 = arith.constant 0 : i32
      %dma_wait3A_214 = arith.constant 0 : i32
      %dma_wait3A_215 = tpu.memref_slice %arg2[%dma_wait3A_213, %dma_wait3A_214] : memref<10000x128xf32, #tpu.memory_space<hbm>> -> memref<80x128xf32, #tpu.memory_space<hbm>>
      tpu.wait_dma2 semaphore(%arg20 : memref<!tpu.dma_semaphore, #tpu.memory_space<semaphore_mem>>) src(%dma_wait3A_215 : memref<80x128xf32, #tpu.memory_space<hbm>>) dst(%arg9 : memref<80x128xf32, #tpu.memory_space<vmem>>)
      %dma_wait3A_216 = arith.constant 0 : i32
      %dma_wait3A_217 = arith.constant 0 : i32
      %dma_wait3A_218 = arith.constant 0 : i32
      %dma_wait3A_219 = tpu.memref_slice %arg4[%dma_wait3A_216, %dma_wait3A_217, %dma_wait3A_218] : memref<32x125x80xi32, #tpu.memory_space<hbm>> -> memref<1x1x80xi32, #tpu.memory_space<hbm>>
      %dma_wait3A_220 = tpu.memref_squeeze %dma_wait3A_219 : memref<1x1x80xi32, #tpu.memory_space<hbm>> -> memref<80xi32, #tpu.memory_space<hbm>>
      %dma_wait3A_221 = arith.constant 0 : i32
      %dma_wait3A_222 = tpu.memref_slice %arg4[%dma_wait3A_216, %dma_wait3A_217, %dma_wait3A_221] : memref<32x125x80xi32, #tpu.memory_space<hbm>> -> memref<1x1x80xi32, #tpu.memory_space<hbm>>
      %dma_wait3A_223 = tpu.memref_squeeze %dma_wait3A_222 : memref<1x1x80xi32, #tpu.memory_space<hbm>> -> memref<80xi32, #tpu.memory_space<hbm>>
      tpu.wait_dma2 semaphore(%arg29 : memref<!tpu.dma_semaphore, #tpu.memory_space<semaphore_mem>>) src(%dma_wait3A_223 : memref<80xi32, #tpu.memory_space<hbm>>) dst(%arg15 : memref<80xi32, #tpu.memory_space<vmem>>)
      %dma_start3A_224 = arith.constant 0 : i32
      %dma_start3A_225 = arith.constant 0 : i32
      %dma_start3A_226 = tpu.memref_slice %arg19[%dma_start3A_224, %dma_start3A_225] : memref<10000x128xf32, #tpu.memory_space<vmem_shared>> -> memref<10000x128xf32, #tpu.memory_space<vmem_shared>>
      tpu.enqueue_indirect_dma source(%arg9 : memref<80x128xf32, #tpu.memory_space<vmem>>) target(%dma_start3A_226 : memref<10000x128xf32, #tpu.memory_space<vmem_shared>>) offsets(%arg15 : memref<80xi32, #tpu.memory_space<vmem>>) semaphore(%arg23 : memref<!tpu.dma_semaphore, #tpu.memory_space<semaphore_mem>>) {add = true}
      %ge3A = arith.constant 1 : i32
      %ge3A_227 = arith.cmpi sge, %mul3A_209, %ge3A : i32
      %convert_element_type3A_228 = arith.extui %ge3A_227 : i1 to i32
      %cond3A_229 = arith.constant 0 : i32
      %cond3A_230 = arith.cmpi ne, %convert_element_type3A_228, %cond3A_229 : i32
      scf.if %cond3A_230 {
        %dma_wait3A_461 = arith.constant 0 : i32
        %dma_wait3A_462 = arith.constant 0 : i32
        %dma_wait3A_463 = tpu.memref_slice %arg19[%dma_wait3A_461, %dma_wait3A_462] : memref<10000x128xf32, #tpu.memory_space<vmem_shared>> -> memref<10000x128xf32, #tpu.memory_space<vmem_shared>>
        tpu.wait_indirect_dma semaphore(%arg25 : memref<!tpu.dma_semaphore, #tpu.memory_space<semaphore_mem>>) src(%arg11 : memref<80x128xf32, #tpu.memory_space<vmem>>) dst(%dma_wait3A_463 : memref<10000x128xf32, #tpu.memory_space<vmem_shared>>)
      } else {
      }
      %dma_wait3A_231 = arith.constant 0 : i32
      %dma_wait3A_232 = arith.constant 0 : i32
      %dma_wait3A_233 = arith.constant 0 : i32
      %dma_wait3A_234 = tpu.memref_slice %arg3[%dma_wait3A_231, %dma_wait3A_232, %dma_wait3A_233] : memref<32x125x80xi32, #tpu.memory_space<hbm>> -> memref<1x1x80xi32, #tpu.memory_space<hbm>>
      %dma_wait3A_235 = tpu.memref_squeeze %dma_wait3A_234 : memref<1x1x80xi32, #tpu.memory_space<hbm>> -> memref<80xi32, #tpu.memory_space<hbm>>
      %dma_wait3A_236 = arith.constant 0 : i32
      %dma_wait3A_237 = tpu.memref_slice %arg3[%dma_wait3A_231, %dma_wait3A_232, %dma_wait3A_236] : memref<32x125x80xi32, #tpu.memory_space<hbm>> -> memref<1x1x80xi32, #tpu.memory_space<hbm>>
      %dma_wait3A_238 = tpu.memref_squeeze %dma_wait3A_237 : memref<1x1x80xi32, #tpu.memory_space<hbm>> -> memref<80xi32, #tpu.memory_space<hbm>>
      tpu.wait_dma2 semaphore(%arg28 : memref<!tpu.dma_semaphore, #tpu.memory_space<semaphore_mem>>) src(%dma_wait3A_238 : memref<80xi32, #tpu.memory_space<hbm>>) dst(%arg14 : memref<80xi32, #tpu.memory_space<vmem>>)
      %dma_start3A_239 = arith.constant 0 : i32
      %dma_start3A_240 = arith.constant 0 : i32
      %dma_start3A_241 = tpu.memref_slice %arg2[%dma_start3A_239, %dma_start3A_240] : memref<10000x128xf32, #tpu.memory_space<hbm>> -> memref<10000x128xf32, #tpu.memory_space<hbm>>
      tpu.enqueue_indirect_dma source(%dma_start3A_241 : memref<10000x128xf32, #tpu.memory_space<hbm>>) target(%arg11 : memref<80x128xf32, #tpu.memory_space<vmem>>) offsets(%arg14 : memref<80xi32, #tpu.memory_space<vmem>>) semaphore(%arg22 : memref<!tpu.dma_semaphore, #tpu.memory_space<semaphore_mem>>)
      %add3A_242 = arith.constant 2 : i32
      %add3A_243 = arith.addi %mul3A_209, %add3A_242 : i32
      %dma_start3A_244 = arith.constant 0 : i32
      %dma_start3A_245 = tpu.memref_slice %arg4[%add3A, %add3A_243, %dma_start3A_244] : memref<32x125x80xi32, #tpu.memory_space<hbm>> -> memref<1x1x80xi32, #tpu.memory_space<hbm>>
      %dma_start3A_246 = tpu.memref_squeeze %dma_start3A_245 : memref<1x1x80xi32, #tpu.memory_space<hbm>> -> memref<80xi32, #tpu.memory_space<hbm>>
      %dma_start3A_247 = arith.constant 0 : i32
      %dma_start3A_248 = tpu.memref_slice %arg4[%add3A, %add3A_243, %dma_start3A_247] : memref<32x125x80xi32, #tpu.memory_space<hbm>> -> memref<1x1x80xi32, #tpu.memory_space<hbm>>
      %dma_start3A_249 = tpu.memref_squeeze %dma_start3A_248 : memref<1x1x80xi32, #tpu.memory_space<hbm>> -> memref<80xi32, #tpu.memory_space<hbm>>
      tpu.enqueue_dma source(%dma_start3A_249 : memref<80xi32, #tpu.memory_space<hbm>>) target(%arg17 : memref<80xi32, #tpu.memory_space<vmem>>) target_semaphore(%arg31 : memref<!tpu.dma_semaphore, #tpu.memory_space<semaphore_mem>>)
      %add3A_250 = arith.constant 3 : i32
      %add3A_251 = arith.addi %mul3A_209, %add3A_250 : i32
      %lt3A = arith.constant 125 : i32
      %lt3A_252 = arith.cmpi slt, %add3A_251, %lt3A : i32
      %convert_element_type3A_253 = arith.extui %lt3A_252 : i1 to i32
      %cond3A_254 = arith.constant 0 : i32
      %cond3A_255 = arith.cmpi ne, %convert_element_type3A_253, %cond3A_254 : i32
      scf.if %cond3A_255 {
        %add3A_461 = arith.constant 3 : i32
        %add3A_462 = arith.addi %mul3A_209, %add3A_461 : i32
        %dma_start3A_463 = arith.constant 0 : i32
        %dma_start3A_464 = tpu.memref_slice %arg3[%add3A, %add3A_462, %dma_start3A_463] : memref<32x125x80xi32, #tpu.memory_space<hbm>> -> memref<1x1x80xi32, #tpu.memory_space<hbm>>
        %dma_start3A_465 = tpu.memref_squeeze %dma_start3A_464 : memref<1x1x80xi32, #tpu.memory_space<hbm>> -> memref<80xi32, #tpu.memory_space<hbm>>
        %dma_start3A_466 = arith.constant 0 : i32
        %dma_start3A_467 = tpu.memref_slice %arg3[%add3A, %add3A_462, %dma_start3A_466] : memref<32x125x80xi32, #tpu.memory_space<hbm>> -> memref<1x1x80xi32, #tpu.memory_space<hbm>>
        %dma_start3A_468 = tpu.memref_squeeze %dma_start3A_467 : memref<1x1x80xi32, #tpu.memory_space<hbm>> -> memref<80xi32, #tpu.memory_space<hbm>>
        tpu.enqueue_dma source(%dma_start3A_468 : memref<80xi32, #tpu.memory_space<hbm>>) target(%arg12 : memref<80xi32, #tpu.memory_space<vmem>>) target_semaphore(%arg26 : memref<!tpu.dma_semaphore, #tpu.memory_space<semaphore_mem>>)
      } else {
      }
      %get3A_256 = arith.constant 0 : index
      %get3A_257 = tpu.vector_load %arg15[%get3A_256] {strides = array<i32>} : memref<80xi32, #tpu.memory_space<vmem>>, vector<16xi32>,
      %broadcast_in_dim3A_258 = arith.constant true
      %broadcast_in_dim3A_259 = vector.broadcast %broadcast_in_dim3A_258 : i1 to vector<16xi1>
      %unique3A_260, %unique3A_261 = tpu.scan_count mask(%broadcast_in_dim3A_259 : vector<16xi1>) value(%get3A_257 : vector<16xi32>) : vector<16xi1>, vector<16xi32>
      %convert_element_type3A_262 = arith.sitofp %unique3A_261 : vector<16xi32> to vector<16xf32>
      tpu.vector_store_idx %arg18[%get3A_257], %convert_element_type3A_262 masked %unique3A_260 {add = true} : memref<10000xf32, #tpu.memory_space<vmem>>[vector<16xi32>], vector<16xf32>, vector<16xi1>
      %get3A_263 = arith.constant 16 : index
      %get3A_264 = tpu.vector_load %arg15[%get3A_263] {strides = array<i32>} : memref<80xi32, #tpu.memory_space<vmem>>, vector<16xi32>,
      %broadcast_in_dim3A_265 = arith.constant true
      %broadcast_in_dim3A_266 = vector.broadcast %broadcast_in_dim3A_265 : i1 to vector<16xi1>
      %unique3A_267, %unique3A_268 = tpu.scan_count mask(%broadcast_in_dim3A_266 : vector<16xi1>) value(%get3A_264 : vector<16xi32>) : vector<16xi1>, vector<16xi32>
      %convert_element_type3A_269 = arith.sitofp %unique3A_268 : vector<16xi32> to vector<16xf32>
      tpu.vector_store_idx %arg18[%get3A_264], %convert_element_type3A_269 masked %unique3A_267 {add = true} : memref<10000xf32, #tpu.memory_space<vmem>>[vector<16xi32>], vector<16xf32>, vector<16xi1>
      %get3A_270 = arith.constant 32 : index
      %get3A_271 = tpu.vector_load %arg15[%get3A_270] {strides = array<i32>} : memref<80xi32, #tpu.memory_space<vmem>>, vector<16xi32>,
      %broadcast_in_dim3A_272 = arith.constant true
      %broadcast_in_dim3A_273 = vector.broadcast %broadcast_in_dim3A_272 : i1 to vector<16xi1>
      %unique3A_274, %unique3A_275 = tpu.scan_count mask(%broadcast_in_dim3A_273 : vector<16xi1>) value(%get3A_271 : vector<16xi32>) : vector<16xi1>, vector<16xi32>
      %convert_element_type3A_276 = arith.sitofp %unique3A_275 : vector<16xi32> to vector<16xf32>
      tpu.vector_store_idx %arg18[%get3A_271], %convert_element_type3A_276 masked %unique3A_274 {add = true} : memref<10000xf32, #tpu.memory_space<vmem>>[vector<16xi32>], vector<16xf32>, vector<16xi1>
      %get3A_277 = arith.constant 48 : index
      %get3A_278 = tpu.vector_load %arg15[%get3A_277] {strides = array<i32>} : memref<80xi32, #tpu.memory_space<vmem>>, vector<16xi32>,
      %broadcast_in_dim3A_279 = arith.constant true
      %broadcast_in_dim3A_280 = vector.broadcast %broadcast_in_dim3A_279 : i1 to vector<16xi1>
      %unique3A_281, %unique3A_282 = tpu.scan_count mask(%broadcast_in_dim3A_280 : vector<16xi1>) value(%get3A_278 : vector<16xi32>) : vector<16xi1>, vector<16xi32>
      %convert_element_type3A_283 = arith.sitofp %unique3A_282 : vector<16xi32> to vector<16xf32>
      tpu.vector_store_idx %arg18[%get3A_278], %convert_element_type3A_283 masked %unique3A_281 {add = true} : memref<10000xf32, #tpu.memory_space<vmem>>[vector<16xi32>], vector<16xf32>, vector<16xi1>
      %get3A_284 = arith.constant 64 : index
      %get3A_285 = tpu.vector_load %arg15[%get3A_284] {strides = array<i32>} : memref<80xi32, #tpu.memory_space<vmem>>, vector<16xi32>,
      %broadcast_in_dim3A_286 = arith.constant true
      %broadcast_in_dim3A_287 = vector.broadcast %broadcast_in_dim3A_286 : i1 to vector<16xi1>
      %unique3A_288, %unique3A_289 = tpu.scan_count mask(%broadcast_in_dim3A_287 : vector<16xi1>) value(%get3A_285 : vector<16xi32>) : vector<16xi1>, vector<16xi32>
      %convert_element_type3A_290 = arith.sitofp %unique3A_289 : vector<16xi32> to vector<16xf32>
      tpu.vector_store_idx %arg18[%get3A_285], %convert_element_type3A_290 masked %unique3A_288 {add = true} : memref<10000xf32, #tpu.memory_space<vmem>>[vector<16xi32>], vector<16xf32>, vector<16xi1>
      %add3A_291 = arith.constant 1 : i32
      %add3A_292 = arith.addi %mul3A_209, %add3A_291 : i32
      %dma_wait3A_293 = arith.constant 0 : i32
      %dma_wait3A_294 = arith.constant 0 : i32
      %dma_wait3A_295 = tpu.memref_slice %arg2[%dma_wait3A_293, %dma_wait3A_294] : memref<10000x128xf32, #tpu.memory_space<hbm>> -> memref<80x128xf32, #tpu.memory_space<hbm>>
      %dma_wait3A_296 = arith.constant 0 : i32
      %dma_wait3A_297 = arith.constant 0 : i32
      %dma_wait3A_298 = tpu.memref_slice %arg2[%dma_wait3A_296, %dma_wait3A_297] : memref<10000x128xf32, #tpu.memory_space<hbm>> -> memref<80x128xf32, #tpu.memory_space<hbm>>
      tpu.wait_dma2 semaphore(%arg21 : memref<!tpu.dma_semaphore, #tpu.memory_space<semaphore_mem>>) src(%dma_wait3A_298 : memref<80x128xf32, #tpu.memory_space<hbm>>) dst(%arg10 : memref<80x128xf32, #tpu.memory_space<vmem>>)
      %dma_wait3A_299 = arith.constant 0 : i32
      %dma_wait3A_300 = arith.constant 0 : i32
      %dma_wait3A_301 = arith.constant 0 : i32
      %dma_wait3A_302 = tpu.memref_slice %arg4[%dma_wait3A_299, %dma_wait3A_300, %dma_wait3A_301] : memref<32x125x80xi32, #tpu.memory_space<hbm>> -> memref<1x1x80xi32, #tpu.memory_space<hbm>>
      %dma_wait3A_303 = tpu.memref_squeeze %dma_wait3A_302 : memref<1x1x80xi32, #tpu.memory_space<hbm>> -> memref<80xi32, #tpu.memory_space<hbm>>
      %dma_wait3A_304 = arith.constant 0 : i32
      %dma_wait3A_305 = tpu.memref_slice %arg4[%dma_wait3A_299, %dma_wait3A_300, %dma_wait3A_304] : memref<32x125x80xi32, #tpu.memory_space<hbm>> -> memref<1x1x80xi32, #tpu.memory_space<hbm>>
      %dma_wait3A_306 = tpu.memref_squeeze %dma_wait3A_305 : memref<1x1x80xi32, #tpu.memory_space<hbm>> -> memref<80xi32, #tpu.memory_space<hbm>>
      tpu.wait_dma2 semaphore(%arg30 : memref<!tpu.dma_semaphore, #tpu.memory_space<semaphore_mem>>) src(%dma_wait3A_306 : memref<80xi32, #tpu.memory_space<hbm>>) dst(%arg16 : memref<80xi32, #tpu.memory_space<vmem>>)
      %dma_start3A_307 = arith.constant 0 : i32
      %dma_start3A_308 = arith.constant 0 : i32
      %dma_start3A_309 = tpu.memref_slice %arg19[%dma_start3A_307, %dma_start3A_308] : memref<10000x128xf32, #tpu.memory_space<vmem_shared>> -> memref<10000x128xf32, #tpu.memory_space<vmem_shared>>
      tpu.enqueue_indirect_dma source(%arg10 : memref<80x128xf32, #tpu.memory_space<vmem>>) target(%dma_start3A_309 : memref<10000x128xf32, #tpu.memory_space<vmem_shared>>) offsets(%arg16 : memref<80xi32, #tpu.memory_space<vmem>>) semaphore(%arg24 : memref<!tpu.dma_semaphore, #tpu.memory_space<semaphore_mem>>) {add = true}
      %ge3A_310 = arith.constant 1 : i32
      %ge3A_311 = arith.cmpi sge, %add3A_292, %ge3A_310 : i32
      %convert_element_type3A_312 = arith.extui %ge3A_311 : i1 to i32
      %cond3A_313 = arith.constant 0 : i32
      %cond3A_314 = arith.cmpi ne, %convert_element_type3A_312, %cond3A_313 : i32
      scf.if %cond3A_314 {
        %dma_wait3A_461 = arith.constant 0 : i32
        %dma_wait3A_462 = arith.constant 0 : i32
        %dma_wait3A_463 = tpu.memref_slice %arg19[%dma_wait3A_461, %dma_wait3A_462] : memref<10000x128xf32, #tpu.memory_space<vmem_shared>> -> memref<10000x128xf32, #tpu.memory_space<vmem_shared>>
        tpu.wait_indirect_dma semaphore(%arg23 : memref<!tpu.dma_semaphore, #tpu.memory_space<semaphore_mem>>) src(%arg9 : memref<80x128xf32, #tpu.memory_space<vmem>>) dst(%dma_wait3A_463 : memref<10000x128xf32, #tpu.memory_space<vmem_shared>>)
      } else {
      }
      %dma_wait3A_315 = arith.constant 0 : i32
      %dma_wait3A_316 = arith.constant 0 : i32
      %dma_wait3A_317 = arith.constant 0 : i32
      %dma_wait3A_318 = tpu.memref_slice %arg3[%dma_wait3A_315, %dma_wait3A_316, %dma_wait3A_317] : memref<32x125x80xi32, #tpu.memory_space<hbm>> -> memref<1x1x80xi32, #tpu.memory_space<hbm>>
      %dma_wait3A_319 = tpu.memref_squeeze %dma_wait3A_318 : memref<1x1x80xi32, #tpu.memory_space<hbm>> -> memref<80xi32, #tpu.memory_space<hbm>>
      %dma_wait3A_320 = arith.constant 0 : i32
      %dma_wait3A_321 = tpu.memref_slice %arg3[%dma_wait3A_315, %dma_wait3A_316, %dma_wait3A_320] : memref<32x125x80xi32, #tpu.memory_space<hbm>> -> memref<1x1x80xi32, #tpu.memory_space<hbm>>
      %dma_wait3A_322 = tpu.memref_squeeze %dma_wait3A_321 : memref<1x1x80xi32, #tpu.memory_space<hbm>> -> memref<80xi32, #tpu.memory_space<hbm>>
      tpu.wait_dma2 semaphore(%arg26 : memref<!tpu.dma_semaphore, #tpu.memory_space<semaphore_mem>>) src(%dma_wait3A_322 : memref<80xi32, #tpu.memory_space<hbm>>) dst(%arg12 : memref<80xi32, #tpu.memory_space<vmem>>)
      %dma_start3A_323 = arith.constant 0 : i32
      %dma_start3A_324 = arith.constant 0 : i32
      %dma_start3A_325 = tpu.memref_slice %arg2[%dma_start3A_323, %dma_start3A_324] : memref<10000x128xf32, #tpu.memory_space<hbm>> -> memref<10000x128xf32, #tpu.memory_space<hbm>>
      tpu.enqueue_indirect_dma source(%dma_start3A_325 : memref<10000x128xf32, #tpu.memory_space<hbm>>) target(%arg9 : memref<80x128xf32, #tpu.memory_space<vmem>>) offsets(%arg12 : memref<80xi32, #tpu.memory_space<vmem>>) semaphore(%arg20 : memref<!tpu.dma_semaphore, #tpu.memory_space<semaphore_mem>>)
      %add3A_326 = arith.constant 2 : i32
      %add3A_327 = arith.addi %add3A_292, %add3A_326 : i32
      %dma_start3A_328 = arith.constant 0 : i32
      %dma_start3A_329 = tpu.memref_slice %arg4[%add3A, %add3A_327, %dma_start3A_328] : memref<32x125x80xi32, #tpu.memory_space<hbm>> -> memref<1x1x80xi32, #tpu.memory_space<hbm>>
      %dma_start3A_330 = tpu.memref_squeeze %dma_start3A_329 : memref<1x1x80xi32, #tpu.memory_space<hbm>> -> memref<80xi32, #tpu.memory_space<hbm>>
      %dma_start3A_331 = arith.constant 0 : i32
      %dma_start3A_332 = tpu.memref_slice %arg4[%add3A, %add3A_327, %dma_start3A_331] : memref<32x125x80xi32, #tpu.memory_space<hbm>> -> memref<1x1x80xi32, #tpu.memory_space<hbm>>
      %dma_start3A_333 = tpu.memref_squeeze %dma_start3A_332 : memref<1x1x80xi32, #tpu.memory_space<hbm>> -> memref<80xi32, #tpu.memory_space<hbm>>
      tpu.enqueue_dma source(%dma_start3A_333 : memref<80xi32, #tpu.memory_space<hbm>>) target(%arg15 : memref<80xi32, #tpu.memory_space<vmem>>) target_semaphore(%arg29 : memref<!tpu.dma_semaphore, #tpu.memory_space<semaphore_mem>>)
      %add3A_334 = arith.constant 3 : i32
      %add3A_335 = arith.addi %add3A_292, %add3A_334 : i32
      %lt3A_336 = arith.constant 125 : i32
      %lt3A_337 = arith.cmpi slt, %add3A_335, %lt3A_336 : i32
      %convert_element_type3A_338 = arith.extui %lt3A_337 : i1 to i32
      %cond3A_339 = arith.constant 0 : i32
      %cond3A_340 = arith.cmpi ne, %convert_element_type3A_338, %cond3A_339 : i32
      scf.if %cond3A_340 {
        %add3A_461 = arith.constant 3 : i32
        %add3A_462 = arith.addi %add3A_292, %add3A_461 : i32
        %dma_start3A_463 = arith.constant 0 : i32
        %dma_start3A_464 = tpu.memref_slice %arg3[%add3A, %add3A_462, %dma_start3A_463] : memref<32x125x80xi32, #tpu.memory_space<hbm>> -> memref<1x1x80xi32, #tpu.memory_space<hbm>>
        %dma_start3A_465 = tpu.memref_squeeze %dma_start3A_464 : memref<1x1x80xi32, #tpu.memory_space<hbm>> -> memref<80xi32, #tpu.memory_space<hbm>>
        %dma_start3A_466 = arith.constant 0 : i32
        %dma_start3A_467 = tpu.memref_slice %arg3[%add3A, %add3A_462, %dma_start3A_466] : memref<32x125x80xi32, #tpu.memory_space<hbm>> -> memref<1x1x80xi32, #tpu.memory_space<hbm>>
        %dma_start3A_468 = tpu.memref_squeeze %dma_start3A_467 : memref<1x1x80xi32, #tpu.memory_space<hbm>> -> memref<80xi32, #tpu.memory_space<hbm>>
        tpu.enqueue_dma source(%dma_start3A_468 : memref<80xi32, #tpu.memory_space<hbm>>) target(%arg13 : memref<80xi32, #tpu.memory_space<vmem>>) target_semaphore(%arg27 : memref<!tpu.dma_semaphore, #tpu.memory_space<semaphore_mem>>)
      } else {
      }
      %get3A_341 = arith.constant 0 : index
      %get3A_342 = tpu.vector_load %arg16[%get3A_341] {strides = array<i32>} : memref<80xi32, #tpu.memory_space<vmem>>, vector<16xi32>,
      %broadcast_in_dim3A_343 = arith.constant true
      %broadcast_in_dim3A_344 = vector.broadcast %broadcast_in_dim3A_343 : i1 to vector<16xi1>
      %unique3A_345, %unique3A_346 = tpu.scan_count mask(%broadcast_in_dim3A_344 : vector<16xi1>) value(%get3A_342 : vector<16xi32>) : vector<16xi1>, vector<16xi32>
      %convert_element_type3A_347 = arith.sitofp %unique3A_346 : vector<16xi32> to vector<16xf32>
      tpu.vector_store_idx %arg18[%get3A_342], %convert_element_type3A_347 masked %unique3A_345 {add = true} : memref<10000xf32, #tpu.memory_space<vmem>>[vector<16xi32>], vector<16xf32>, vector<16xi1>
      %get3A_348 = arith.constant 16 : index
      %get3A_349 = tpu.vector_load %arg16[%get3A_348] {strides = array<i32>} : memref<80xi32, #tpu.memory_space<vmem>>, vector<16xi32>,
      %broadcast_in_dim3A_350 = arith.constant true
      %broadcast_in_dim3A_351 = vector.broadcast %broadcast_in_dim3A_350 : i1 to vector<16xi1>
      %unique3A_352, %unique3A_353 = tpu.scan_count mask(%broadcast_in_dim3A_351 : vector<16xi1>) value(%get3A_349 : vector<16xi32>) : vector<16xi1>, vector<16xi32>
      %convert_element_type3A_354 = arith.sitofp %unique3A_353 : vector<16xi32> to vector<16xf32>
      tpu.vector_store_idx %arg18[%get3A_349], %convert_element_type3A_354 masked %unique3A_352 {add = true} : memref<10000xf32, #tpu.memory_space<vmem>>[vector<16xi32>], vector<16xf32>, vector<16xi1>
      %get3A_355 = arith.constant 32 : index
      %get3A_356 = tpu.vector_load %arg16[%get3A_355] {strides = array<i32>} : memref<80xi32, #tpu.memory_space<vmem>>, vector<16xi32>,
      %broadcast_in_dim3A_357 = arith.constant true
      %broadcast_in_dim3A_358 = vector.broadcast %broadcast_in_dim3A_357 : i1 to vector<16xi1>
      %unique3A_359, %unique3A_360 = tpu.scan_count mask(%broadcast_in_dim3A_358 : vector<16xi1>) value(%get3A_356 : vector<16xi32>) : vector<16xi1>, vector<16xi32>
      %convert_element_type3A_361 = arith.sitofp %unique3A_360 : vector<16xi32> to vector<16xf32>
      tpu.vector_store_idx %arg18[%get3A_356], %convert_element_type3A_361 masked %unique3A_359 {add = true} : memref<10000xf32, #tpu.memory_space<vmem>>[vector<16xi32>], vector<16xf32>, vector<16xi1>
      %get3A_362 = arith.constant 48 : index
      %get3A_363 = tpu.vector_load %arg16[%get3A_362] {strides = array<i32>} : memref<80xi32, #tpu.memory_space<vmem>>, vector<16xi32>,
      %broadcast_in_dim3A_364 = arith.constant true
      %broadcast_in_dim3A_365 = vector.broadcast %broadcast_in_dim3A_364 : i1 to vector<16xi1>
      %unique3A_366, %unique3A_367 = tpu.scan_count mask(%broadcast_in_dim3A_365 : vector<16xi1>) value(%get3A_363 : vector<16xi32>) : vector<16xi1>, vector<16xi32>
      %convert_element_type3A_368 = arith.sitofp %unique3A_367 : vector<16xi32> to vector<16xf32>
      tpu.vector_store_idx %arg18[%get3A_363], %convert_element_type3A_368 masked %unique3A_366 {add = true} : memref<10000xf32, #tpu.memory_space<vmem>>[vector<16xi32>], vector<16xf32>, vector<16xi1>
      %get3A_369 = arith.constant 64 : index
      %get3A_370 = tpu.vector_load %arg16[%get3A_369] {strides = array<i32>} : memref<80xi32, #tpu.memory_space<vmem>>, vector<16xi32>,
      %broadcast_in_dim3A_371 = arith.constant true
      %broadcast_in_dim3A_372 = vector.broadcast %broadcast_in_dim3A_371 : i1 to vector<16xi1>
      %unique3A_373, %unique3A_374 = tpu.scan_count mask(%broadcast_in_dim3A_372 : vector<16xi1>) value(%get3A_370 : vector<16xi32>) : vector<16xi1>, vector<16xi32>
      %convert_element_type3A_375 = arith.sitofp %unique3A_374 : vector<16xi32> to vector<16xf32>
      tpu.vector_store_idx %arg18[%get3A_370], %convert_element_type3A_375 masked %unique3A_373 {add = true} : memref<10000xf32, #tpu.memory_space<vmem>>[vector<16xi32>], vector<16xf32>, vector<16xi1>
      %add3A_376 = arith.constant 2 : i32
      %add3A_377 = arith.addi %mul3A_209, %add3A_376 : i32
      %dma_wait3A_378 = arith.constant 0 : i32
      %dma_wait3A_379 = arith.constant 0 : i32
      %dma_wait3A_380 = tpu.memref_slice %arg2[%dma_wait3A_378, %dma_wait3A_379] : memref<10000x128xf32, #tpu.memory_space<hbm>> -> memref<80x128xf32, #tpu.memory_space<hbm>>
      %dma_wait3A_381 = arith.constant 0 : i32
      %dma_wait3A_382 = arith.constant 0 : i32
      %dma_wait3A_383 = tpu.memref_slice %arg2[%dma_wait3A_381, %dma_wait3A_382] : memref<10000x128xf32, #tpu.memory_space<hbm>> -> memref<80x128xf32, #tpu.memory_space<hbm>>
      tpu.wait_dma2 semaphore(%arg22 : memref<!tpu.dma_semaphore, #tpu.memory_space<semaphore_mem>>) src(%dma_wait3A_383 : memref<80x128xf32, #tpu.memory_space<hbm>>) dst(%arg11 : memref<80x128xf32, #tpu.memory_space<vmem>>)
      %dma_wait3A_384 = arith.constant 0 : i32
      %dma_wait3A_385 = arith.constant 0 : i32
      %dma_wait3A_386 = arith.constant 0 : i32
      %dma_wait3A_387 = tpu.memref_slice %arg4[%dma_wait3A_384, %dma_wait3A_385, %dma_wait3A_386] : memref<32x125x80xi32, #tpu.memory_space<hbm>> -> memref<1x1x80xi32, #tpu.memory_space<hbm>>
      %dma_wait3A_388 = tpu.memref_squeeze %dma_wait3A_387 : memref<1x1x80xi32, #tpu.memory_space<hbm>> -> memref<80xi32, #tpu.memory_space<hbm>>
      %dma_wait3A_389 = arith.constant 0 : i32
      %dma_wait3A_390 = tpu.memref_slice %arg4[%dma_wait3A_384, %dma_wait3A_385, %dma_wait3A_389] : memref<32x125x80xi32, #tpu.memory_space<hbm>> -> memref<1x1x80xi32, #tpu.memory_space<hbm>>
      %dma_wait3A_391 = tpu.memref_squeeze %dma_wait3A_390 : memref<1x1x80xi32, #tpu.memory_space<hbm>> -> memref<80xi32, #tpu.memory_space<hbm>>
      tpu.wait_dma2 semaphore(%arg31 : memref<!tpu.dma_semaphore, #tpu.memory_space<semaphore_mem>>) src(%dma_wait3A_391 : memref<80xi32, #tpu.memory_space<hbm>>) dst(%arg17 : memref<80xi32, #tpu.memory_space<vmem>>)
      %dma_start3A_392 = arith.constant 0 : i32
      %dma_start3A_393 = arith.constant 0 : i32
      %dma_start3A_394 = tpu.memref_slice %arg19[%dma_start3A_392, %dma_start3A_393] : memref<10000x128xf32, #tpu.memory_space<vmem_shared>> -> memref<10000x128xf32, #tpu.memory_space<vmem_shared>>
      tpu.enqueue_indirect_dma source(%arg11 : memref<80x128xf32, #tpu.memory_space<vmem>>) target(%dma_start3A_394 : memref<10000x128xf32, #tpu.memory_space<vmem_shared>>) offsets(%arg17 : memref<80xi32, #tpu.memory_space<vmem>>) semaphore(%arg25 : memref<!tpu.dma_semaphore, #tpu.memory_space<semaphore_mem>>) {add = true}
      %ge3A_395 = arith.constant 1 : i32
      %ge3A_396 = arith.cmpi sge, %add3A_377, %ge3A_395 : i32
      %convert_element_type3A_397 = arith.extui %ge3A_396 : i1 to i32
      %cond3A_398 = arith.constant 0 : i32
      %cond3A_399 = arith.cmpi ne, %convert_element_type3A_397, %cond3A_398 : i32
      scf.if %cond3A_399 {
        %dma_wait3A_461 = arith.constant 0 : i32
        %dma_wait3A_462 = arith.constant 0 : i32
        %dma_wait3A_463 = tpu.memref_slice %arg19[%dma_wait3A_461, %dma_wait3A_462] : memref<10000x128xf32, #tpu.memory_space<vmem_shared>> -> memref<10000x128xf32, #tpu.memory_space<vmem_shared>>
        tpu.wait_indirect_dma semaphore(%arg24 : memref<!tpu.dma_semaphore, #tpu.memory_space<semaphore_mem>>) src(%arg10 : memref<80x128xf32, #tpu.memory_space<vmem>>) dst(%dma_wait3A_463 : memref<10000x128xf32, #tpu.memory_space<vmem_shared>>)
      } else {
      }
      %dma_wait3A_400 = arith.constant 0 : i32
      %dma_wait3A_401 = arith.constant 0 : i32
      %dma_wait3A_402 = arith.constant 0 : i32
      %dma_wait3A_403 = tpu.memref_slice %arg3[%dma_wait3A_400, %dma_wait3A_401, %dma_wait3A_402] : memref<32x125x80xi32, #tpu.memory_space<hbm>> -> memref<1x1x80xi32, #tpu.memory_space<hbm>>
      %dma_wait3A_404 = tpu.memref_squeeze %dma_wait3A_403 : memref<1x1x80xi32, #tpu.memory_space<hbm>> -> memref<80xi32, #tpu.memory_space<hbm>>
      %dma_wait3A_405 = arith.constant 0 : i32
      %dma_wait3A_406 = tpu.memref_slice %arg3[%dma_wait3A_400, %dma_wait3A_401, %dma_wait3A_405] : memref<32x125x80xi32, #tpu.memory_space<hbm>> -> memref<1x1x80xi32, #tpu.memory_space<hbm>>
      %dma_wait3A_407 = tpu.memref_squeeze %dma_wait3A_406 : memref<1x1x80xi32, #tpu.memory_space<hbm>> -> memref<80xi32, #tpu.memory_space<hbm>>
      tpu.wait_dma2 semaphore(%arg27 : memref<!tpu.dma_semaphore, #tpu.memory_space<semaphore_mem>>) src(%dma_wait3A_407 : memref<80xi32, #tpu.memory_space<hbm>>) dst(%arg13 : memref<80xi32, #tpu.memory_space<vmem>>)
      %dma_start3A_408 = arith.constant 0 : i32
      %dma_start3A_409 = arith.constant 0 : i32
      %dma_start3A_410 = tpu.memref_slice %arg2[%dma_start3A_408, %dma_start3A_409] : memref<10000x128xf32, #tpu.memory_space<hbm>> -> memref<10000x128xf32, #tpu.memory_space<hbm>>
      tpu.enqueue_indirect_dma source(%dma_start3A_410 : memref<10000x128xf32, #tpu.memory_space<hbm>>) target(%arg10 : memref<80x128xf32, #tpu.memory_space<vmem>>) offsets(%arg13 : memref<80xi32, #tpu.memory_space<vmem>>) semaphore(%arg21 : memref<!tpu.dma_semaphore, #tpu.memory_space<semaphore_mem>>)
      %add3A_411 = arith.constant 2 : i32
      %add3A_412 = arith.addi %add3A_377, %add3A_411 : i32
      %dma_start3A_413 = arith.constant 0 : i32
      %dma_start3A_414 = tpu.memref_slice %arg4[%add3A, %add3A_412, %dma_start3A_413] : memref<32x125x80xi32, #tpu.memory_space<hbm>> -> memref<1x1x80xi32, #tpu.memory_space<hbm>>
      %dma_start3A_415 = tpu.memref_squeeze %dma_start3A_414 : memref<1x1x80xi32, #tpu.memory_space<hbm>> -> memref<80xi32, #tpu.memory_space<hbm>>
      %dma_start3A_416 = arith.constant 0 : i32
      %dma_start3A_417 = tpu.memref_slice %arg4[%add3A, %add3A_412, %dma_start3A_416] : memref<32x125x80xi32, #tpu.memory_space<hbm>> -> memref<1x1x80xi32, #tpu.memory_space<hbm>>
      %dma_start3A_418 = tpu.memref_squeeze %dma_start3A_417 : memref<1x1x80xi32, #tpu.memory_space<hbm>> -> memref<80xi32, #tpu.memory_space<hbm>>
      tpu.enqueue_dma source(%dma_start3A_418 : memref<80xi32, #tpu.memory_space<hbm>>) target(%arg16 : memref<80xi32, #tpu.memory_space<vmem>>) target_semaphore(%arg30 : memref<!tpu.dma_semaphore, #tpu.memory_space<semaphore_mem>>)
      %add3A_419 = arith.constant 3 : i32
      %add3A_420 = arith.addi %add3A_377, %add3A_419 : i32
      %lt3A_421 = arith.constant 125 : i32
      %lt3A_422 = arith.cmpi slt, %add3A_420, %lt3A_421 : i32
      %convert_element_type3A_423 = arith.extui %lt3A_422 : i1 to i32
      %cond3A_424 = arith.constant 0 : i32
      %cond3A_425 = arith.cmpi ne, %convert_element_type3A_423, %cond3A_424 : i32
      scf.if %cond3A_425 {
        %add3A_461 = arith.constant 3 : i32
        %add3A_462 = arith.addi %add3A_377, %add3A_461 : i32
        %dma_start3A_463 = arith.constant 0 : i32
        %dma_start3A_464 = tpu.memref_slice %arg3[%add3A, %add3A_462, %dma_start3A_463] : memref<32x125x80xi32, #tpu.memory_space<hbm>> -> memref<1x1x80xi32, #tpu.memory_space<hbm>>
        %dma_start3A_465 = tpu.memref_squeeze %dma_start3A_464 : memref<1x1x80xi32, #tpu.memory_space<hbm>> -> memref<80xi32, #tpu.memory_space<hbm>>
        %dma_start3A_466 = arith.constant 0 : i32
        %dma_start3A_467 = tpu.memref_slice %arg3[%add3A, %add3A_462, %dma_start3A_466] : memref<32x125x80xi32, #tpu.memory_space<hbm>> -> memref<1x1x80xi32, #tpu.memory_space<hbm>>
        %dma_start3A_468 = tpu.memref_squeeze %dma_start3A_467 : memref<1x1x80xi32, #tpu.memory_space<hbm>> -> memref<80xi32, #tpu.memory_space<hbm>>
        tpu.enqueue_dma source(%dma_start3A_468 : memref<80xi32, #tpu.memory_space<hbm>>) target(%arg14 : memref<80xi32, #tpu.memory_space<vmem>>) target_semaphore(%arg28 : memref<!tpu.dma_semaphore, #tpu.memory_space<semaphore_mem>>)
      } else {
      }
      %get3A_426 = arith.constant 0 : index
      %get3A_427 = tpu.vector_load %arg17[%get3A_426] {strides = array<i32>} : memref<80xi32, #tpu.memory_space<vmem>>, vector<16xi32>,
      %broadcast_in_dim3A_428 = arith.constant true
      %broadcast_in_dim3A_429 = vector.broadcast %broadcast_in_dim3A_428 : i1 to vector<16xi1>
      %unique3A_430, %unique3A_431 = tpu.scan_count mask(%broadcast_in_dim3A_429 : vector<16xi1>) value(%get3A_427 : vector<16xi32>) : vector<16xi1>, vector<16xi32>
      %convert_element_type3A_432 = arith.sitofp %unique3A_431 : vector<16xi32> to vector<16xf32>
      tpu.vector_store_idx %arg18[%get3A_427], %convert_element_type3A_432 masked %unique3A_430 {add = true} : memref<10000xf32, #tpu.memory_space<vmem>>[vector<16xi32>], vector<16xf32>, vector<16xi1>
      %get3A_433 = arith.constant 16 : index
      %get3A_434 = tpu.vector_load %arg17[%get3A_433] {strides = array<i32>} : memref<80xi32, #tpu.memory_space<vmem>>, vector<16xi32>,
      %broadcast_in_dim3A_435 = arith.constant true
      %broadcast_in_dim3A_436 = vector.broadcast %broadcast_in_dim3A_435 : i1 to vector<16xi1>
      %unique3A_437, %unique3A_438 = tpu.scan_count mask(%broadcast_in_dim3A_436 : vector<16xi1>) value(%get3A_434 : vector<16xi32>) : vector<16xi1>, vector<16xi32>
      %convert_element_type3A_439 = arith.sitofp %unique3A_438 : vector<16xi32> to vector<16xf32>
      tpu.vector_store_idx %arg18[%get3A_434], %convert_element_type3A_439 masked %unique3A_437 {add = true} : memref<10000xf32, #tpu.memory_space<vmem>>[vector<16xi32>], vector<16xf32>, vector<16xi1>
      %get3A_440 = arith.constant 32 : index
      %get3A_441 = tpu.vector_load %arg17[%get3A_440] {strides = array<i32>} : memref<80xi32, #tpu.memory_space<vmem>>, vector<16xi32>,
      %broadcast_in_dim3A_442 = arith.constant true
      %broadcast_in_dim3A_443 = vector.broadcast %broadcast_in_dim3A_442 : i1 to vector<16xi1>
      %unique3A_444, %unique3A_445 = tpu.scan_count mask(%broadcast_in_dim3A_443 : vector<16xi1>) value(%get3A_441 : vector<16xi32>) : vector<16xi1>, vector<16xi32>
      %convert_element_type3A_446 = arith.sitofp %unique3A_445 : vector<16xi32> to vector<16xf32>
      tpu.vector_store_idx %arg18[%get3A_441], %convert_element_type3A_446 masked %unique3A_444 {add = true} : memref<10000xf32, #tpu.memory_space<vmem>>[vector<16xi32>], vector<16xf32>, vector<16xi1>
      %get3A_447 = arith.constant 48 : index
      %get3A_448 = tpu.vector_load %arg17[%get3A_447] {strides = array<i32>} : memref<80xi32, #tpu.memory_space<vmem>>, vector<16xi32>,
      %broadcast_in_dim3A_449 = arith.constant true
      %broadcast_in_dim3A_450 = vector.broadcast %broadcast_in_dim3A_449 : i1 to vector<16xi1>
      %unique3A_451, %unique3A_452 = tpu.scan_count mask(%broadcast_in_dim3A_450 : vector<16xi1>) value(%get3A_448 : vector<16xi32>) : vector<16xi1>, vector<16xi32>
      %convert_element_type3A_453 = arith.sitofp %unique3A_452 : vector<16xi32> to vector<16xf32>
      tpu.vector_store_idx %arg18[%get3A_448], %convert_element_type3A_453 masked %unique3A_451 {add = true} : memref<10000xf32, #tpu.memory_space<vmem>>[vector<16xi32>], vector<16xf32>, vector<16xi1>
      %get3A_454 = arith.constant 64 : index
      %get3A_455 = tpu.vector_load %arg17[%get3A_454] {strides = array<i32>} : memref<80xi32, #tpu.memory_space<vmem>>, vector<16xi32>,
      %broadcast_in_dim3A_456 = arith.constant true
      %broadcast_in_dim3A_457 = vector.broadcast %broadcast_in_dim3A_456 : i1 to vector<16xi1>
      %unique3A_458, %unique3A_459 = tpu.scan_count mask(%broadcast_in_dim3A_457 : vector<16xi1>) value(%get3A_455 : vector<16xi32>) : vector<16xi1>, vector<16xi32>
      %convert_element_type3A_460 = arith.sitofp %unique3A_459 : vector<16xi32> to vector<16xf32>
      tpu.vector_store_idx %arg18[%get3A_455], %convert_element_type3A_460 masked %unique3A_458 {add = true} : memref<10000xf32, #tpu.memory_space<vmem>>[vector<16xi32>], vector<16xf32>, vector<16xi1>
    }
    %scan3A_68 = arith.constant 41 : i32
    %dma_wait3A_69 = arith.constant 0 : i32
    %dma_wait3A_70 = arith.constant 0 : i32
    %dma_wait3A_71 = tpu.memref_slice %arg2[%dma_wait3A_69, %dma_wait3A_70] : memref<10000x128xf32, #tpu.memory_space<hbm>> -> memref<80x128xf32, #tpu.memory_space<hbm>>
    %dma_wait3A_72 = arith.constant 0 : i32
    %dma_wait3A_73 = arith.constant 0 : i32
    %dma_wait3A_74 = tpu.memref_slice %arg2[%dma_wait3A_72, %dma_wait3A_73] : memref<10000x128xf32, #tpu.memory_space<hbm>> -> memref<80x128xf32, #tpu.memory_space<hbm>>
    tpu.wait_dma2 semaphore(%arg20 : memref<!tpu.dma_semaphore, #tpu.memory_space<semaphore_mem>>) src(%dma_wait3A_74 : memref<80x128xf32, #tpu.memory_space<hbm>>) dst(%arg9 : memref<80x128xf32, #tpu.memory_space<vmem>>)
    %dma_wait3A_75 = arith.constant 0 : i32
    %dma_wait3A_76 = arith.constant 0 : i32
    %dma_wait3A_77 = arith.constant 0 : i32
    %dma_wait3A_78 = tpu.memref_slice %arg4[%dma_wait3A_75, %dma_wait3A_76, %dma_wait3A_77] : memref<32x125x80xi32, #tpu.memory_space<hbm>> -> memref<1x1x80xi32, #tpu.memory_space<hbm>>
    %dma_wait3A_79 = tpu.memref_squeeze %dma_wait3A_78 : memref<1x1x80xi32, #tpu.memory_space<hbm>> -> memref<80xi32, #tpu.memory_space<hbm>>
    %dma_wait3A_80 = arith.constant 0 : i32
    %dma_wait3A_81 = tpu.memref_slice %arg4[%dma_wait3A_75, %dma_wait3A_76, %dma_wait3A_80] : memref<32x125x80xi32, #tpu.memory_space<hbm>> -> memref<1x1x80xi32, #tpu.memory_space<hbm>>
    %dma_wait3A_82 = tpu.memref_squeeze %dma_wait3A_81 : memref<1x1x80xi32, #tpu.memory_space<hbm>> -> memref<80xi32, #tpu.memory_space<hbm>>
    tpu.wait_dma2 semaphore(%arg29 : memref<!tpu.dma_semaphore, #tpu.memory_space<semaphore_mem>>) src(%dma_wait3A_82 : memref<80xi32, #tpu.memory_space<hbm>>) dst(%arg15 : memref<80xi32, #tpu.memory_space<vmem>>)
    %dma_start3A_83 = arith.constant 0 : i32
    %dma_start3A_84 = arith.constant 0 : i32
    %dma_start3A_85 = tpu.memref_slice %arg19[%dma_start3A_83, %dma_start3A_84] : memref<10000x128xf32, #tpu.memory_space<vmem_shared>> -> memref<10000x128xf32, #tpu.memory_space<vmem_shared>>
    tpu.enqueue_indirect_dma source(%arg9 : memref<80x128xf32, #tpu.memory_space<vmem>>) target(%dma_start3A_85 : memref<10000x128xf32, #tpu.memory_space<vmem_shared>>) offsets(%arg15 : memref<80xi32, #tpu.memory_space<vmem>>) semaphore(%arg23 : memref<!tpu.dma_semaphore, #tpu.memory_space<semaphore_mem>>) {add = true}
    %get3A = arith.constant 0 : index
    %get3A_86 = tpu.vector_load %arg15[%get3A] {strides = array<i32>} : memref<80xi32, #tpu.memory_space<vmem>>, vector<16xi32>,
    %broadcast_in_dim3A = arith.constant true
    %broadcast_in_dim3A_87 = vector.broadcast %broadcast_in_dim3A : i1 to vector<16xi1>
    %unique3A, %unique3A_88 = tpu.scan_count mask(%broadcast_in_dim3A_87 : vector<16xi1>) value(%get3A_86 : vector<16xi32>) : vector<16xi1>, vector<16xi32>
    %convert_element_type3A_89 = arith.sitofp %unique3A_88 : vector<16xi32> to vector<16xf32>
    tpu.vector_store_idx %arg18[%get3A_86], %convert_element_type3A_89 masked %unique3A {add = true} : memref<10000xf32, #tpu.memory_space<vmem>>[vector<16xi32>], vector<16xf32>, vector<16xi1>
    %get3A_90 = arith.constant 16 : index
    %get3A_91 = tpu.vector_load %arg15[%get3A_90] {strides = array<i32>} : memref<80xi32, #tpu.memory_space<vmem>>, vector<16xi32>,
    %broadcast_in_dim3A_92 = arith.constant true
    %broadcast_in_dim3A_93 = vector.broadcast %broadcast_in_dim3A_92 : i1 to vector<16xi1>
    %unique3A_94, %unique3A_95 = tpu.scan_count mask(%broadcast_in_dim3A_93 : vector<16xi1>) value(%get3A_91 : vector<16xi32>) : vector<16xi1>, vector<16xi32>
    %convert_element_type3A_96 = arith.sitofp %unique3A_95 : vector<16xi32> to vector<16xf32>
    tpu.vector_store_idx %arg18[%get3A_91], %convert_element_type3A_96 masked %unique3A_94 {add = true} : memref<10000xf32, #tpu.memory_space<vmem>>[vector<16xi32>], vector<16xf32>, vector<16xi1>
    %get3A_97 = arith.constant 32 : index
    %get3A_98 = tpu.vector_load %arg15[%get3A_97] {strides = array<i32>} : memref<80xi32, #tpu.memory_space<vmem>>, vector<16xi32>,
    %broadcast_in_dim3A_99 = arith.constant true
    %broadcast_in_dim3A_100 = vector.broadcast %broadcast_in_dim3A_99 : i1 to vector<16xi1>
    %unique3A_101, %unique3A_102 = tpu.scan_count mask(%broadcast_in_dim3A_100 : vector<16xi1>) value(%get3A_98 : vector<16xi32>) : vector<16xi1>, vector<16xi32>
    %convert_element_type3A_103 = arith.sitofp %unique3A_102 : vector<16xi32> to vector<16xf32>
    tpu.vector_store_idx %arg18[%get3A_98], %convert_element_type3A_103 masked %unique3A_101 {add = true} : memref<10000xf32, #tpu.memory_space<vmem>>[vector<16xi32>], vector<16xf32>, vector<16xi1>
    %get3A_104 = arith.constant 48 : index
    %get3A_105 = tpu.vector_load %arg15[%get3A_104] {strides = array<i32>} : memref<80xi32, #tpu.memory_space<vmem>>, vector<16xi32>,
    %broadcast_in_dim3A_106 = arith.constant true
    %broadcast_in_dim3A_107 = vector.broadcast %broadcast_in_dim3A_106 : i1 to vector<16xi1>
    %unique3A_108, %unique3A_109 = tpu.scan_count mask(%broadcast_in_dim3A_107 : vector<16xi1>) value(%get3A_105 : vector<16xi32>) : vector<16xi1>, vector<16xi32>
    %convert_element_type3A_110 = arith.sitofp %unique3A_109 : vector<16xi32> to vector<16xf32>
    tpu.vector_store_idx %arg18[%get3A_105], %convert_element_type3A_110 masked %unique3A_108 {add = true} : memref<10000xf32, #tpu.memory_space<vmem>>[vector<16xi32>], vector<16xf32>, vector<16xi1>
    %get3A_111 = arith.constant 64 : index
    %get3A_112 = tpu.vector_load %arg15[%get3A_111] {strides = array<i32>} : memref<80xi32, #tpu.memory_space<vmem>>, vector<16xi32>,
    %broadcast_in_dim3A_113 = arith.constant true
    %broadcast_in_dim3A_114 = vector.broadcast %broadcast_in_dim3A_113 : i1 to vector<16xi1>
    %unique3A_115, %unique3A_116 = tpu.scan_count mask(%broadcast_in_dim3A_114 : vector<16xi1>) value(%get3A_112 : vector<16xi32>) : vector<16xi1>, vector<16xi32>
    %convert_element_type3A_117 = arith.sitofp %unique3A_116 : vector<16xi32> to vector<16xf32>
    tpu.vector_store_idx %arg18[%get3A_112], %convert_element_type3A_117 masked %unique3A_115 {add = true} : memref<10000xf32, #tpu.memory_space<vmem>>[vector<16xi32>], vector<16xf32>, vector<16xi1>
    %dma_wait3A_118 = arith.constant 0 : i32
    %dma_wait3A_119 = arith.constant 0 : i32
    %dma_wait3A_120 = tpu.memref_slice %arg19[%dma_wait3A_118, %dma_wait3A_119] : memref<10000x128xf32, #tpu.memory_space<vmem_shared>> -> memref<10000x128xf32, #tpu.memory_space<vmem_shared>>
    tpu.wait_indirect_dma semaphore(%arg25 : memref<!tpu.dma_semaphore, #tpu.memory_space<semaphore_mem>>) src(%arg11 : memref<80x128xf32, #tpu.memory_space<vmem>>) dst(%dma_wait3A_120 : memref<10000x128xf32, #tpu.memory_space<vmem_shared>>)
    %dma_wait3A_121 = arith.constant 0 : i32
    %dma_wait3A_122 = arith.constant 0 : i32
    %dma_wait3A_123 = tpu.memref_slice %arg2[%dma_wait3A_121, %dma_wait3A_122] : memref<10000x128xf32, #tpu.memory_space<hbm>> -> memref<80x128xf32, #tpu.memory_space<hbm>>
    %dma_wait3A_124 = arith.constant 0 : i32
    %dma_wait3A_125 = arith.constant 0 : i32
    %dma_wait3A_126 = tpu.memref_slice %arg2[%dma_wait3A_124, %dma_wait3A_125] : memref<10000x128xf32, #tpu.memory_space<hbm>> -> memref<80x128xf32, #tpu.memory_space<hbm>>
    tpu.wait_dma2 semaphore(%arg21 : memref<!tpu.dma_semaphore, #tpu.memory_space<semaphore_mem>>) src(%dma_wait3A_126 : memref<80x128xf32, #tpu.memory_space<hbm>>) dst(%arg10 : memref<80x128xf32, #tpu.memory_space<vmem>>)
    %dma_wait3A_127 = arith.constant 0 : i32
    %dma_wait3A_128 = arith.constant 0 : i32
    %dma_wait3A_129 = arith.constant 0 : i32
    %dma_wait3A_130 = tpu.memref_slice %arg4[%dma_wait3A_127, %dma_wait3A_128, %dma_wait3A_129] : memref<32x125x80xi32, #tpu.memory_space<hbm>> -> memref<1x1x80xi32, #tpu.memory_space<hbm>>
    %dma_wait3A_131 = tpu.memref_squeeze %dma_wait3A_130 : memref<1x1x80xi32, #tpu.memory_space<hbm>> -> memref<80xi32, #tpu.memory_space<hbm>>
    %dma_wait3A_132 = arith.constant 0 : i32
    %dma_wait3A_133 = tpu.memref_slice %arg4[%dma_wait3A_127, %dma_wait3A_128, %dma_wait3A_132] : memref<32x125x80xi32, #tpu.memory_space<hbm>> -> memref<1x1x80xi32, #tpu.memory_space<hbm>>
    %dma_wait3A_134 = tpu.memref_squeeze %dma_wait3A_133 : memref<1x1x80xi32, #tpu.memory_space<hbm>> -> memref<80xi32, #tpu.memory_space<hbm>>
    tpu.wait_dma2 semaphore(%arg30 : memref<!tpu.dma_semaphore, #tpu.memory_space<semaphore_mem>>) src(%dma_wait3A_134 : memref<80xi32, #tpu.memory_space<hbm>>) dst(%arg16 : memref<80xi32, #tpu.memory_space<vmem>>)
    %dma_start3A_135 = arith.constant 0 : i32
    %dma_start3A_136 = arith.constant 0 : i32
    %dma_start3A_137 = tpu.memref_slice %arg19[%dma_start3A_135, %dma_start3A_136] : memref<10000x128xf32, #tpu.memory_space<vmem_shared>> -> memref<10000x128xf32, #tpu.memory_space<vmem_shared>>
    tpu.enqueue_indirect_dma source(%arg10 : memref<80x128xf32, #tpu.memory_space<vmem>>) target(%dma_start3A_137 : memref<10000x128xf32, #tpu.memory_space<vmem_shared>>) offsets(%arg16 : memref<80xi32, #tpu.memory_space<vmem>>) semaphore(%arg24 : memref<!tpu.dma_semaphore, #tpu.memory_space<semaphore_mem>>) {add = true}
    %get3A_138 = arith.constant 0 : index
    %get3A_139 = tpu.vector_load %arg16[%get3A_138] {strides = array<i32>} : memref<80xi32, #tpu.memory_space<vmem>>, vector<16xi32>,
    %broadcast_in_dim3A_140 = arith.constant true
    %broadcast_in_dim3A_141 = vector.broadcast %broadcast_in_dim3A_140 : i1 to vector<16xi1>
    %unique3A_142, %unique3A_143 = tpu.scan_count mask(%broadcast_in_dim3A_141 : vector<16xi1>) value(%get3A_139 : vector<16xi32>) : vector<16xi1>, vector<16xi32>
    %convert_element_type3A_144 = arith.sitofp %unique3A_143 : vector<16xi32> to vector<16xf32>
    tpu.vector_store_idx %arg18[%get3A_139], %convert_element_type3A_144 masked %unique3A_142 {add = true} : memref<10000xf32, #tpu.memory_space<vmem>>[vector<16xi32>], vector<16xf32>, vector<16xi1>
    %get3A_145 = arith.constant 16 : index
    %get3A_146 = tpu.vector_load %arg16[%get3A_145] {strides = array<i32>} : memref<80xi32, #tpu.memory_space<vmem>>, vector<16xi32>,
    %broadcast_in_dim3A_147 = arith.constant true
    %broadcast_in_dim3A_148 = vector.broadcast %broadcast_in_dim3A_147 : i1 to vector<16xi1>
    %unique3A_149, %unique3A_150 = tpu.scan_count mask(%broadcast_in_dim3A_148 : vector<16xi1>) value(%get3A_146 : vector<16xi32>) : vector<16xi1>, vector<16xi32>
    %convert_element_type3A_151 = arith.sitofp %unique3A_150 : vector<16xi32> to vector<16xf32>
    tpu.vector_store_idx %arg18[%get3A_146], %convert_element_type3A_151 masked %unique3A_149 {add = true} : memref<10000xf32, #tpu.memory_space<vmem>>[vector<16xi32>], vector<16xf32>, vector<16xi1>
    %get3A_152 = arith.constant 32 : index
    %get3A_153 = tpu.vector_load %arg16[%get3A_152] {strides = array<i32>} : memref<80xi32, #tpu.memory_space<vmem>>, vector<16xi32>,
    %broadcast_in_dim3A_154 = arith.constant true
    %broadcast_in_dim3A_155 = vector.broadcast %broadcast_in_dim3A_154 : i1 to vector<16xi1>
    %unique3A_156, %unique3A_157 = tpu.scan_count mask(%broadcast_in_dim3A_155 : vector<16xi1>) value(%get3A_153 : vector<16xi32>) : vector<16xi1>, vector<16xi32>
    %convert_element_type3A_158 = arith.sitofp %unique3A_157 : vector<16xi32> to vector<16xf32>
    tpu.vector_store_idx %arg18[%get3A_153], %convert_element_type3A_158 masked %unique3A_156 {add = true} : memref<10000xf32, #tpu.memory_space<vmem>>[vector<16xi32>], vector<16xf32>, vector<16xi1>
    %get3A_159 = arith.constant 48 : index
    %get3A_160 = tpu.vector_load %arg16[%get3A_159] {strides = array<i32>} : memref<80xi32, #tpu.memory_space<vmem>>, vector<16xi32>,
    %broadcast_in_dim3A_161 = arith.constant true
    %broadcast_in_dim3A_162 = vector.broadcast %broadcast_in_dim3A_161 : i1 to vector<16xi1>
    %unique3A_163, %unique3A_164 = tpu.scan_count mask(%broadcast_in_dim3A_162 : vector<16xi1>) value(%get3A_160 : vector<16xi32>) : vector<16xi1>, vector<16xi32>
    %convert_element_type3A_165 = arith.sitofp %unique3A_164 : vector<16xi32> to vector<16xf32>
    tpu.vector_store_idx %arg18[%get3A_160], %convert_element_type3A_165 masked %unique3A_163 {add = true} : memref<10000xf32, #tpu.memory_space<vmem>>[vector<16xi32>], vector<16xf32>, vector<16xi1>
    %get3A_166 = arith.constant 64 : index
    %get3A_167 = tpu.vector_load %arg16[%get3A_166] {strides = array<i32>} : memref<80xi32, #tpu.memory_space<vmem>>, vector<16xi32>,
    %broadcast_in_dim3A_168 = arith.constant true
    %broadcast_in_dim3A_169 = vector.broadcast %broadcast_in_dim3A_168 : i1 to vector<16xi1>
    %unique3A_170, %unique3A_171 = tpu.scan_count mask(%broadcast_in_dim3A_169 : vector<16xi1>) value(%get3A_167 : vector<16xi32>) : vector<16xi1>, vector<16xi32>
    %convert_element_type3A_172 = arith.sitofp %unique3A_171 : vector<16xi32> to vector<16xf32>
    tpu.vector_store_idx %arg18[%get3A_167], %convert_element_type3A_172 masked %unique3A_170 {add = true} : memref<10000xf32, #tpu.memory_space<vmem>>[vector<16xi32>], vector<16xf32>, vector<16xi1>
    %dma_wait3A_173 = arith.constant 0 : i32
    %dma_wait3A_174 = arith.constant 0 : i32
    %dma_wait3A_175 = tpu.memref_slice %arg19[%dma_wait3A_173, %dma_wait3A_174] : memref<10000x128xf32, #tpu.memory_space<vmem_shared>> -> memref<10000x128xf32, #tpu.memory_space<vmem_shared>>
    tpu.wait_indirect_dma semaphore(%arg23 : memref<!tpu.dma_semaphore, #tpu.memory_space<semaphore_mem>>) src(%arg9 : memref<80x128xf32, #tpu.memory_space<vmem>>) dst(%dma_wait3A_175 : memref<10000x128xf32, #tpu.memory_space<vmem_shared>>)
    %dma_wait3A_176 = arith.constant 0 : i32
    %dma_wait3A_177 = arith.constant 0 : i32
    %dma_wait3A_178 = tpu.memref_slice %arg19[%dma_wait3A_176, %dma_wait3A_177] : memref<10000x128xf32, #tpu.memory_space<vmem_shared>> -> memref<10000x128xf32, #tpu.memory_space<vmem_shared>>
    tpu.wait_indirect_dma semaphore(%arg24 : memref<!tpu.dma_semaphore, #tpu.memory_space<semaphore_mem>>) src(%arg10 : memref<80x128xf32, #tpu.memory_space<vmem>>) dst(%dma_wait3A_178 : memref<10000x128xf32, #tpu.memory_space<vmem_shared>>)
    %barrier3A_179 = arith.constant 0 : index
    tpu.barrier barrier_id(%barrier3A_179)
    %dma_start3A_180 = arith.constant 0 : i32
    %dma_start3A_181 = tpu.memref_slice %arg7[%arg0, %mul3A_2, %dma_start3A_180] : memref<2x10000x128xf32, #tpu.memory_space<hbm>> -> memref<1x624x128xf32, #tpu.memory_space<hbm>>
    %dma_start3A_182 = tpu.memref_squeeze %dma_start3A_181 : memref<1x624x128xf32, #tpu.memory_space<hbm>> -> memref<624x128xf32, #tpu.memory_space<hbm>>
    %dma_start3A_183 = arith.constant 0 : i32
    %dma_start3A_184 = tpu.memref_slice %arg19[%mul3A_2, %dma_start3A_183] : memref<10000x128xf32, #tpu.memory_space<vmem_shared>> -> memref<624x128xf32, #tpu.memory_space<vmem_shared>>
    tpu.enqueue_dma source(%dma_start3A_184 : memref<624x128xf32, #tpu.memory_space<vmem_shared>>) target(%dma_start3A_182 : memref<624x128xf32, #tpu.memory_space<hbm>>) target_semaphore(%arg32 : memref<!tpu.dma_semaphore, #tpu.memory_space<semaphore_mem>>)
    %dma_start3A_185 = arith.constant 0 : i32
    %dma_start3A_186 = tpu.memref_slice %arg8[%add3A, %dma_start3A_185] : memref<32x10000xf32, #tpu.memory_space<hbm>> -> memref<1x10000xf32, #tpu.memory_space<hbm>>
    %dma_start3A_187 = tpu.memref_squeeze %dma_start3A_186 : memref<1x10000xf32, #tpu.memory_space<hbm>> -> memref<10000xf32, #tpu.memory_space<hbm>>
    %dma_start3A_188 = arith.constant 0 : i32
    %dma_start3A_189 = tpu.memref_slice %arg8[%add3A, %dma_start3A_188] : memref<32x10000xf32, #tpu.memory_space<hbm>> -> memref<1x10000xf32, #tpu.memory_space<hbm>>
    %dma_start3A_190 = tpu.memref_squeeze %dma_start3A_189 : memref<1x10000xf32, #tpu.memory_space<hbm>> -> memref<10000xf32, #tpu.memory_space<hbm>>
    tpu.enqueue_dma source(%arg18 : memref<10000xf32, #tpu.memory_space<vmem>>) target(%dma_start3A_190 : memref<10000xf32, #tpu.memory_space<hbm>>) target_semaphore(%arg33 : memref<!tpu.dma_semaphore, #tpu.memory_space<semaphore_mem>>)
    %eq3A_191 = arith.constant 15 : i32
    %eq3A_192 = arith.cmpi eq, %arg1, %eq3A_191 : i32
    %convert_element_type3A_193 = arith.extui %eq3A_192 : i1 to i32
    %cond3A_194 = arith.constant 0 : i32
    %cond3A_195 = arith.cmpi ne, %convert_element_type3A_193, %cond3A_194 : i32
    scf.if %cond3A_195 {
      "tpu.region"() ({
        %run_scoped3A = tpu.sem_alloc : memref<!tpu.dma_semaphore, #tpu.memory_space<semaphore_mem>>
        %dma_start3A_207 = arith.constant 9984 : i32
        %dma_start3A_208 = arith.constant 0 : i32
        %dma_start3A_209 = tpu.memref_slice %arg7[%arg0, %dma_start3A_207, %dma_start3A_208] : memref<2x10000x128xf32, #tpu.memory_space<hbm>> -> memref<1x16x128xf32, #tpu.memory_space<hbm>>
        %dma_start3A_210 = tpu.memref_squeeze %dma_start3A_209 : memref<1x16x128xf32, #tpu.memory_space<hbm>> -> memref<16x128xf32, #tpu.memory_space<hbm>>
        %dma_start3A_211 = arith.constant 9984 : i32
        %dma_start3A_212 = arith.constant 0 : i32
        %dma_start3A_213 = tpu.memref_slice %arg19[%dma_start3A_211, %dma_start3A_212] : memref<10000x128xf32, #tpu.memory_space<vmem_shared>> -> memref<16x128xf32, #tpu.memory_space<vmem_shared>>
        tpu.enqueue_dma source(%dma_start3A_213 : memref<16x128xf32, #tpu.memory_space<vmem_shared>>) target(%dma_start3A_210 : memref<16x128xf32, #tpu.memory_space<hbm>>) target_semaphore(%run_scoped3A : memref<!tpu.dma_semaphore, #tpu.memory_space<semaphore_mem>>)
        %dma_wait3A_214 = arith.constant 9984 : i32
        %dma_wait3A_215 = arith.constant 0 : i32
        %dma_wait3A_216 = tpu.memref_slice %arg7[%arg0, %dma_wait3A_214, %dma_wait3A_215] : memref<2x10000x128xf32, #tpu.memory_space<hbm>> -> memref<1x16x128xf32, #tpu.memory_space<hbm>>
        %dma_wait3A_217 = tpu.memref_squeeze %dma_wait3A_216 : memref<1x16x128xf32, #tpu.memory_space<hbm>> -> memref<16x128xf32, #tpu.memory_space<hbm>>
        %dma_wait3A_218 = arith.constant 9984 : i32
        %dma_wait3A_219 = arith.constant 0 : i32
        %dma_wait3A_220 = tpu.memref_slice %arg19[%dma_wait3A_218, %dma_wait3A_219] : memref<10000x128xf32, #tpu.memory_space<vmem_shared>> -> memref<16x128xf32, #tpu.memory_space<vmem_shared>>
        tpu.wait_dma2 semaphore(%run_scoped3A : memref<!tpu.dma_semaphore, #tpu.memory_space<semaphore_mem>>) src(%dma_wait3A_220 : memref<16x128xf32, #tpu.memory_space<vmem_shared>>) dst(%dma_wait3A_217 : memref<16x128xf32, #tpu.memory_space<hbm>>)
        tpu.yield
      }) : () -> ()
    } else {
    }
    %dma_wait3A_196 = arith.constant 0 : i32
    %dma_wait3A_197 = tpu.memref_slice %arg7[%arg0, %mul3A_2, %dma_wait3A_196] : memref<2x10000x128xf32, #tpu.memory_space<hbm>> -> memref<1x624x128xf32, #tpu.memory_space<hbm>>
    %dma_wait3A_198 = tpu.memref_squeeze %dma_wait3A_197 : memref<1x624x128xf32, #tpu.memory_space<hbm>> -> memref<624x128xf32, #tpu.memory_space<hbm>>
    %dma_wait3A_199 = arith.constant 0 : i32
    %dma_wait3A_200 = tpu.memref_slice %arg19[%mul3A_2, %dma_wait3A_199] : memref<10000x128xf32, #tpu.memory_space<vmem_shared>> -> memref<624x128xf32, #tpu.memory_space<vmem_shared>>
    tpu.wait_dma2 semaphore(%arg32 : memref<!tpu.dma_semaphore, #tpu.memory_space<semaphore_mem>>) src(%dma_wait3A_200 : memref<624x128xf32, #tpu.memory_space<vmem_shared>>) dst(%dma_wait3A_198 : memref<624x128xf32, #tpu.memory_space<hbm>>)
    %dma_wait3A_201 = arith.constant 0 : i32
    %dma_wait3A_202 = tpu.memref_slice %arg8[%add3A, %dma_wait3A_201] : memref<32x10000xf32, #tpu.memory_space<hbm>> -> memref<1x10000xf32, #tpu.memory_space<hbm>>
    %dma_wait3A_203 = tpu.memref_squeeze %dma_wait3A_202 : memref<1x10000xf32, #tpu.memory_space<hbm>> -> memref<10000xf32, #tpu.memory_space<hbm>>
    %dma_wait3A_204 = arith.constant 0 : i32
    %dma_wait3A_205 = tpu.memref_slice %arg8[%add3A, %dma_wait3A_204] : memref<32x10000xf32, #tpu.memory_space<hbm>> -> memref<1x10000xf32, #tpu.memory_space<hbm>>
    %dma_wait3A_206 = tpu.memref_squeeze %dma_wait3A_205 : memref<1x10000xf32, #tpu.memory_space<hbm>> -> memref<10000xf32, #tpu.memory_space<hbm>>
    tpu.wait_dma2 semaphore(%arg33 : memref<!tpu.dma_semaphore, #tpu.memory_space<semaphore_mem>>) src(%arg18 : memref<10000xf32, #tpu.memory_space<vmem>>) dst(%dma_wait3A_206 : memref<10000xf32, #tpu.memory_space<hbm>>)
    return
  }
}

module attributes {stable_mosaic.version = 14 : i64} {
  func.func @_tc_body(%arg0: memref<10000x128xf32, #tpu.memory_space<vmem>>, %arg1: memref<2x10000x128xf32, #tpu.memory_space<vmem>>, %arg2: memref<32x10000xf32, #tpu.memory_space<vmem>>, %arg3: memref<1x10000xi32, #tpu.memory_space<vmem>>, %arg4: memref<128x128xf32, #tpu.memory_space<vmem>>, %arg5: memref<1x128xf32, #tpu.memory_space<vmem>>, %arg6: memref<128x128xf32, #tpu.memory_space<vmem>>, %arg7: memref<10000x128xf32, #tpu.memory_space<vmem>>) attributes {dimension_semantics = [], scalar_prefetch = 0 : i64, scratch_operands = 0 : i64, tpu.core_type = #tpu.core_type<tc>} {
    %get3A = arith.constant 0 : index
    %get3A_0 = arith.constant 0 : index
    %get3A_1 = arith.constant 0 : index
    %get3A_2 = vector.load %arg1[%get3A, %get3A_0, %get3A_1] : memref<2x10000x128xf32, #tpu.memory_space<vmem>>, vector<1x10000x128xf32>
    %get3A_3 = vector.shape_cast %get3A_2 : vector<1x10000x128xf32> to vector<10000x128xf32>
    %get3A_4 = arith.constant 1 : index
    %get3A_5 = arith.constant 0 : index
    %get3A_6 = arith.constant 0 : index
    %get3A_7 = vector.load %arg1[%get3A_4, %get3A_5, %get3A_6] : memref<2x10000x128xf32, #tpu.memory_space<vmem>>, vector<1x10000x128xf32>
    %get3A_8 = vector.shape_cast %get3A_7 : vector<1x10000x128xf32> to vector<10000x128xf32>
    %add3A = arith.addf %get3A_3, %get3A_8 : vector<10000x128xf32>
    %get3A_9 = arith.constant 0 : index
    %get3A_10 = arith.constant 0 : index
    %get3A_11 = vector.load %arg2[%get3A_9, %get3A_10] : memref<32x10000xf32, #tpu.memory_space<vmem>>, vector<32x10000xf32>
    %broadcast_in_dim3A = arith.constant 1.000000e+00 : f32
    %broadcast_in_dim3A_12 = vector.broadcast %broadcast_in_dim3A : f32 to vector<32x1xf32>
    %dot_general3A = arith.constant dense<0.000000e+00> : vector<10000x1xf32>
    %dot_general3A_13 = tpu.matmul %get3A_11, %broadcast_in_dim3A_12, %dot_general3A {dimension_numbers = #tpu.dot_dimension_numbers<[0], [0], [1], [1], [0, 1, 1, 1], [], []>, transpose_lhs_hint = false} : vector<32x10000xf32>, vector<32x1xf32>, vector<10000x1xf32> -> vector<10000x1xf32>
    %max3A = arith.constant 1.000000e+00 : f32
    %max3A_14 = vector.broadcast %max3A : f32 to vector<10000x1xf32>
    %max3A_15 = arith.maximumf %dot_general3A_13, %max3A_14 : vector<10000x1xf32>
    %div3A = vector.broadcast %max3A_15 : vector<10000x1xf32> to vector<10000x128xf32>
    %div3A_16 = arith.divf %add3A, %div3A : vector<10000x128xf32>
    %get3A_17 = arith.constant 0 : index
    %get3A_18 = arith.constant 0 : index
    %get3A_19 = vector.load %arg0[%get3A_17, %get3A_18] : memref<10000x128xf32, #tpu.memory_space<vmem>>, vector<10000x128xf32>
    %add3A_20 = arith.addf %get3A_19, %div3A_16 : vector<10000x128xf32>
    %get3A_21 = arith.constant 0 : index
    %get3A_22 = arith.constant 0 : index
    %get3A_23 = vector.load %arg4[%get3A_21, %get3A_22] : memref<128x128xf32, #tpu.memory_space<vmem>>, vector<128x128xf32>
    %dot_general3A_24 = arith.constant dense<0.000000e+00> : vector<10000x128xf32>
    %dot_general3A_25 = tpu.matmul %add3A_20, %get3A_23, %dot_general3A_24 {dimension_numbers = #tpu.dot_dimension_numbers<[1], [0], [0], [1], [0, 0, 1, 1], [], []>, transpose_lhs_hint = false} : vector<10000x128xf32>, vector<128x128xf32>, vector<10000x128xf32> -> vector<10000x128xf32>
    %get3A_26 = arith.constant 0 : index
    %get3A_27 = arith.constant 0 : index
    %get3A_28 = vector.load %arg5[%get3A_26, %get3A_27] : memref<1x128xf32, #tpu.memory_space<vmem>>, vector<1x128xf32>
    %add3A_29 = vector.broadcast %get3A_28 : vector<1x128xf32> to vector<10000x128xf32>
    %add3A_30 = arith.addf %dot_general3A_25, %add3A_29 : vector<10000x128xf32>
    %max3A_31 = arith.constant 0.000000e+00 : f32
    %max3A_32 = vector.broadcast %max3A_31 : f32 to vector<10000x128xf32>
    %max3A_33 = arith.maximumf %add3A_30, %max3A_32 : vector<10000x128xf32>
    %iota3A = tpu.iota {dimensions = array<i32: 0>} : vector<16x10000xi32>
    %get3A_34 = arith.constant 0 : index
    %get3A_35 = arith.constant 0 : index
    %get3A_36 = vector.load %arg3[%get3A_34, %get3A_35] : memref<1x10000xi32, #tpu.memory_space<vmem>>, vector<1x10000xi32>
    %eq3A = vector.broadcast %get3A_36 : vector<1x10000xi32> to vector<16x10000xi32>
    %eq3A_37 = arith.cmpi eq, %iota3A, %eq3A : vector<16x10000xi32>
    %convert_element_type3A = arith.extui %eq3A_37 : vector<16x10000xi1> to vector<16x10000xi32>
    %convert_element_type3A_38 = arith.sitofp %convert_element_type3A : vector<16x10000xi32> to vector<16x10000xf32>
    %dot_general3A_39 = arith.constant dense<0.000000e+00> : vector<16x128xf32>
    %dot_general3A_40 = tpu.matmul %convert_element_type3A_38, %max3A_33, %dot_general3A_39 {dimension_numbers = #tpu.dot_dimension_numbers<[1], [0], [0], [1], [0, 0, 1, 1], [], []>, transpose_lhs_hint = false} : vector<16x10000xf32>, vector<10000x128xf32>, vector<16x128xf32> -> vector<16x128xf32>
    %reduce_sum3A = arith.constant dense<0.000000e+00> : vector<16xf32>
    %reduce_sum3A_41 = vector.multi_reduction <add>, %convert_element_type3A_38, %reduce_sum3A [1] : vector<16x10000xf32> to vector<16xf32>
    %broadcast_in_dim3A_42 = vector.shape_cast %reduce_sum3A_41 : vector<16xf32> to vector<16x1xf32>
    %max3A_43 = arith.constant 1.000000e+00 : f32
    %max3A_44 = vector.broadcast %max3A_43 : f32 to vector<16x1xf32>
    %max3A_45 = arith.maximumf %broadcast_in_dim3A_42, %max3A_44 : vector<16x1xf32>
    %div3A_46 = vector.broadcast %max3A_45 : vector<16x1xf32> to vector<16x128xf32>
    %div3A_47 = arith.divf %dot_general3A_40, %div3A_46 : vector<16x128xf32>
    %get3A_48 = arith.constant 0 : index
    %get3A_49 = arith.constant 0 : index
    %get3A_50 = vector.load %arg6[%get3A_48, %get3A_49] : memref<128x128xf32, #tpu.memory_space<vmem>>, vector<128x128xf32>
    %dot_general3A_51 = arith.constant dense<0.000000e+00> : vector<16x128xf32>
    %dot_general3A_52 = tpu.matmul %div3A_47, %get3A_50, %dot_general3A_51 {dimension_numbers = #tpu.dot_dimension_numbers<[1], [0], [0], [1], [0, 0, 1, 1], [], []>, transpose_lhs_hint = false} : vector<16x128xf32>, vector<128x128xf32>, vector<16x128xf32> -> vector<16x128xf32>
    %dot_general3A_53 = arith.constant dense<0.000000e+00> : vector<10000x128xf32>
    %dot_general3A_54 = tpu.matmul %convert_element_type3A_38, %dot_general3A_52, %dot_general3A_53 {dimension_numbers = #tpu.dot_dimension_numbers<[0], [0], [1], [1], [0, 1, 1, 1], [], []>, transpose_lhs_hint = false} : vector<16x10000xf32>, vector<16x128xf32>, vector<10000x128xf32> -> vector<10000x128xf32>
    %add3A_55 = arith.addf %max3A_33, %dot_general3A_54 : vector<10000x128xf32>
    %swap3A = arith.constant 0 : index
    %swap3A_56 = arith.constant 0 : index
    %swap3A_57 = vector.load %arg7[%swap3A, %swap3A_56] : memref<10000x128xf32, #tpu.memory_space<vmem>>, vector<10000x128xf32>
    tpu.vector_store %arg7[%swap3A, %swap3A_56], %add3A_55 {strides = array<i32>} : memref<10000x128xf32, #tpu.memory_space<vmem>>, vector<10000x128xf32>,
    return
  }
}

</mosaic_0001>

<sc_bundles>
// kernel: _impl.4.cloned.1.call-start
scs
__scs_entry_jumppad:
0x0: {  	(pc) =	sbr.rel $0x88, $3  }
0x1: {  	(tag) =	ssettag $0x0;
	lr =	simm.s32 $0x1  }
0x2: {  	[smem:$0x3F9A] =	sst lr;
	_ =	strace $0xD0000000  }
0x3: {  	_ = 	snop  }
0x4: {  	_ = 	snop  }
0x5: {  	_ = 	snop  }
0x6: {  	_ = 	snop  }
0x7: {  	_ = 	snop  }
__scs_overlays_trampoline_lowered:
0x8: {  	[smem:$0x3FA9] =	sst s0  }
0x9: {  	[smem:$0x3FAA] =	sst s1  }
0xa: {  	[smem:$0x3FAB] =	sst s2  }
0xb: {  	[smem:$0x3FAC] =	sst s3  }
0xc: {  	[smem:$0x3FAD] =	sst s4  }
0xd: {  	[smem:$0x3FAE] =	sst s5  }
0xe: {  	[smem:$0x3FAF] =	sst s6  }
0xf: {  	[smem:$0x3FB0] =	sst s7  }
0x10: {  	[smem:$0x3FB1] =	sst s8  }
0x11: {  	[smem:$0x3FB2] =	sst s9;
	s0 =	simm.s32 @!p0 $0x0  }
0x12: {  	s1 =	sld [smem:$0x3F98];
	s0 =	simm.s32 @p0 $0x1  }
0x13: {  	[smem:$0x3FB3] =	sst s0;
	s0 =	simm.s32 @!p1 $0x0  }
0x14: {  	s2 =	sld [smem:$0x3F97];
	s0 =	simm.s32 @p1 $0x1  }
0x15: {  	[smem:$0x3FB4] =	sst s0;
	s0 =	simm.s32 @!p2 $0x0  }
0x16: {  	s3 =	sld [smem:$0x3FDB];
	s0 =	simm.s32 @p2 $0x1  }
0x17: {  	s4 =	simm.s32 $0x1BF5;
	[smem:$0x3FB6] =	sst s0  }
0x18: {  	s0 =	sld [smem:$0x3F99];
	_ =	swait.ge [sflag:s4], $0x0  }
0x19: {  	s7 =	sld [smem:$0x3F9A]  }
0x1a: {  	s8 =	sadd.s32 $0xFFFFE003, lr  }
0x1b: {  	s9 =	sadd.s32 $0xFFFFFEF7, lr;
	s5 =	simm.s32 $0xFFFFFFFF;
	p2 =	slt.u32 s8, $0xFFFFF086  }
0x1c: {  	p1 =	slt.u32 s9, $0xF7A;
	s5 =	simm.s32 @!p2 $0x0  }
0x1d: {  	s5 =	simm.s32 @p1 $0x1;
	p0 =	seq.s32 s7, s2  }
0x1e: {  	s7 =	smul.u32 @!p0 $0xF7A, s2;
	p2 =	seq.s32 @!p0 s5, $0x0  }
0x1f: {  	s9 =	smul.u32 $0xF7A, s1;
	s8 =	simm.s32 @!p0 $0x1BF5;
	p2 =	por !p2, p0  }
0x20: {  	[sflag:s8] =	ssyncset.s32 @!p0 $0xFFFFF086;
	s6 =	sadd.s32 @!p0 s3, s7;
	s7 =	simm.s32 @!p0 $0x108  }
0x21: {  	s3 =	sadd.s32 s3, s9;
	s6 =	sadd.s32 @!p0 $0x88, s6;
	s7 =	simm.s32 @p2 $0x1082  }
0x22: {  	[simem:s7], [sflag:s8] =	dma.local @!p0 [hbm:s6], $0xF7A  }
0x23: {  	s9 =	sor.u32 $0xD0000000, s2;
	s6 =	simm.s32 $0x108;
	_ =	swait.ge @!p0 [sflag:s8], $0x0  }
0x24: {  	s3 =	sadd.s32 $0x88, s3;
	s6 =	simm.s32 @!p1 $0x1082;
	[sflag:s4] =	ssyncset.s32 $0xFFFFF086  }
0x25: {  	[simem:s6], [sflag:s4] =	dma.local [hbm:s3], $0xF7A  }
0x26: {  	[smem:$0x3F9A] =	sst s1;
	(tag) =	ssettag s2;
	_ =	strace s9  }
0x27: {  	s1 =	sld [smem:$0x3FAA]  }
0x28: {  	s2 =	sld [smem:$0x3FAB]  }
0x29: {  	s4 =	sld [smem:$0x3FAD]  }
0x2a: {  	p0 =	seq.s32 s5, $0x0;
	s5 =	sld [smem:$0x3FAE]  }
0x2b: {  	s6 =	sld [smem:$0x3FAF]  }
0x2c: {  	s7 =	sld [smem:$0x3FB0]  }
0x2d: {  	s3 =	simm.s32 $0x108;
	s8 =	sld [smem:$0x3FB1]  }
0x2e: {  	s3 =	simm.s32 @!p0 $0x1082;
	s9 =	sld [smem:$0x3FB2]  }
0x2f: {  	lr =	sadd.s32 s0, s3;
	s0 =	sld [smem:$0x3FA9]  }
0x30: {  	s3 =	sld [smem:$0x3FAC]  }
0x31: {  	[smem:$0x3FB5] =	sst s10  }
0x32: {  	s10 =	sld [smem:$0x3FB3];
	_ =	sdelay $0x3  }
0x33: {  	p0 =	seq.s32 s10, $0x1;
	s10 =	sld [smem:$0x3FB5];
	_ =	sdelay $0x3  }
0x34: {  	[smem:$0x3FB5] =	sst s10  }
0x35: {  	s10 =	sld [smem:$0x3FB4];
	_ =	sdelay $0x3  }
0x36: {  	p1 =	seq.s32 s10, $0x1;
	s10 =	sld [smem:$0x3FB5];
	_ =	sdelay $0x3  }
0x37: {  	[smem:$0x3FB5] =	sst s10  }
0x38: {  	s10 =	sld [smem:$0x3FB6]  }
0x39: {  	_ = 	snop;
	(pc) =	sbr.ind lr, $3  }
0x3a: {  	_ = 	snop  }
0x3b: {  	_ = 	snop  }
0x3c: {  	p2 =	seq.s32 s10, $0x1;
	s10 =	sld [smem:$0x3FB5]  }
0x3d: {  	_ =	shalt  }
0x3e: {  	_ =	shalt  }
0x3f: {  	_ =	shalt  }
0x40: {  	_ =	shalt  }
0x41: {  	_ =	shalt  }
0x42: {  	_ =	shalt  }
0x43: {  	_ =	shalt  }
0x44: {  	_ =	shalt  }
0x45: {  	_ =	shalt  }
0x46: {  	_ =	shalt  }
0x47: {  	_ =	shalt  }
0x48: {  	_ =	shalt  }
0x49: {  	_ =	shalt  }
0x4a: {  	_ =	shalt  }
0x4b: {  	_ =	shalt  }
0x4c: {  	_ =	shalt  }
0x4d: {  	_ =	shalt  }
0x4e: {  	_ =	shalt  }
0x4f: {  	_ =	shalt  }
0x50: {  	_ =	shalt  }
0x51: {  	_ =	shalt  }
0x52: {  	_ =	shalt  }
0x53: {  	_ =	shalt  }
0x54: {  	_ =	shalt  }
0x55: {  	_ =	shalt  }
0x56: {  	_ =	shalt  }
0x57: {  	_ =	shalt  }
0x58: {  	_ =	shalt  }
0x59: {  	_ =	shalt  }
0x5a: {  	_ =	shalt  }
0x5b: {  	_ =	shalt  }
0x5c: {  	_ =	shalt  }
0x5d: {  	_ =	shalt  }
0x5e: {  	_ =	shalt  }
0x5f: {  	_ =	shalt  }
0x60: {  	_ =	shalt  }
0x61: {  	_ =	shalt  }
0x62: {  	_ =	shalt  }
0x63: {  	_ =	shalt  }
0x64: {  	_ =	shalt  }
0x65: {  	_ =	shalt  }
0x66: {  	_ =	shalt  }
0x67: {  	_ =	shalt  }
0x68: {  	_ =	shalt  }
0x69: {  	_ =	shalt  }
0x6a: {  	_ =	shalt  }
0x6b: {  	_ =	shalt  }
0x6c: {  	_ =	shalt  }
0x6d: {  	_ =	shalt  }
0x6e: {  	_ =	shalt  }
0x6f: {  	_ =	shalt  }
0x70: {  	_ =	shalt  }
0x71: {  	_ =	shalt  }
0x72: {  	_ =	shalt  }
0x73: {  	_ =	shalt  }
0x74: {  	_ =	shalt  }
0x75: {  	_ =	shalt  }
0x76: {  	_ =	shalt  }
0x77: {  	_ =	shalt  }
0x78: {  	_ =	shalt  }
0x79: {  	_ =	shalt  }
0x7a: {  	_ =	shalt  }
0x7b: {  	_ =	shalt  }
0x7c: {  	_ =	shalt  }
0x7d: {  	_ =	shalt  }
0x7e: {  	_ =	shalt  }
0x7f: {  	_ =	shalt  }
0x80: {  	_ =	shalt  }
0x81: {  	_ =	shalt  }
0x82: {  	_ =	shalt  }
0x83: {  	_ =	shalt  }
0x84: {  	_ =	shalt  }
0x85: {  	_ =	shalt  }
0x86: {  	_ =	shalt  }
0x87: {  	_ =	shalt  }
.Lfunc_end0:
.L_simem_size_0:
called_computation_lowered:
.L_overlay_start_0:
0x88: {  	s2 =	sld [smem:$0x3FD9]  }
0x89: {  	s3 =	sld [smem:$0x3FFE];
	_ =	sdelay $0x1  }
0x8a: {  	s1 =	srdreg.scid  }
0x8b: {  	s0 =	sand.u32 $0x1, s1  }
0x8c: {  	s17 =	sshll.u32 s0, $0xA;
	s2 =	sadd.s32 s3, s2  }
0x8d: {  	s2 =	sadd.s32 s2, s17  }
0x8e: {  	[smem:$0x3FC1] =	sst s2  }
0x8f: {  	_ = 	snop  }
0x90: {  	s2 =	sld [smem:$0x3FC9]  }
0x91: {  	s18 =	sld [smem:$0x3FD0];
	(tm) =	ssettm $0x1  }
0x92: {  	s4 =	sld [smem:$0x3FFB];
	_ =	sdelay $0x3  }
0x93: {  	_ =	strace s4  }
0x94: {  	s4 =	sld [smem:$0x3FFC];
	_ =	sdelay $0x3  }
0x95: {  	_ =	strace s4  }
0x96: {  	s4 =	sld [smem:$0x3FFD];
	_ =	sdelay $0x3  }
0x97: {  	_ =	strace s4  }
0x98: {  	_ =	strace $0x8FFFFFFF  }
0x99: {  	s19 =	sld [smem:$0x3FDB];
	_ =	sdelay $0x1  }
0x9a: {  	s5 =	simm.s32 $_scs_section_size  }
0x9b: {  	s6 =	simm.s32 $_size__tile_overlayer_lowered;
	s7 =	simm.s32 $_tile_overlayer_lowered  }
0x9c: {  	s22 =	simm.s32 $0x1BFF;
	s21 =	sshll.u32 s7, $0x1;
	s4 =	sadd.s32 s5, s19  }
0x9d: {  	s8 =	simm.s32 $0x0;
	s20 =	sshll.u32 s6, $0x1;
	s6 =	sadd.s32 s21, s4  }
0x9e: {  	[timem:s8], [sflag:s22] =	dma.local [hbm:s6], s20  }
0x9f: {  	_ =	swait.ge [sflag:s22], s20  }
0xa0: {  	s5 =	ssub.s32 $0x0, s20;
	[sflag:s22] =	ssyncset.done $0x0  }
0xa1: {  	[sflag:s22] =	ssyncadd.s32 s5;
	_ =	sdelay $0x1  }
0xa2: {  	s23 =	simm.s32 $0x1B8B  }
0xa3: {  	_ =	swait.ge [sflag:s23], $0x1  }
0xa4: {  	[sflag:s23] =	ssyncset.done $0x0  }
0xa5: {  	s25 =	simm.s32 $0x1B8E;
	s24 =	sld [smem:$0x3FFE];
	[sflag:s23] =	ssyncadd.s32 $0xFFFFFFFF  }
0xa6: {  	s26 =	simm.s32 $execute0_lowered;
	[smem:$0x3FD2] =	sst s25  }
0xa7: {  	s6 =	sshll.u32 s26, $0x1;
	_ =	strace $0x80000046;
	[dreg:$0x1] =	wrdreg $0xFFFFFFFF  }
0xa8: {  	s28 =	simm.s32 $_size_execute0_lowered;
	s4 =	sadd.s32 s4, s6;
	[dreg:$0x0] =	wrdreg $0x0  }
0xa9: {  	s6 =	sshll.u32 s28, $0x1;
	[dreg:$0x2] =	wrdreg s4  }
0xaa: {  	[dreg:$0x3] =	wrdreg s6  }
0xab: {  	[dreg:$0x4] =	wrdreg $0xC0  }
0xac: {  	_ =	task [dreg:s8], $0x5FFFF  }
0xad: {  	[dreg:$0x1] =	wrdreg $0xFFFFFFFF  }
0xae: {  	[dreg:$0x0] =	wrdreg $0x60  }
0xaf: {  	[dreg:$0x2] =	wrdreg s2  }
0xb0: {  	[dreg:$0x3] =	wrdreg s18  }
0xb1: {  	[dreg:$0x4] =	wrdreg s24  }
0xb2: {  	[dreg:$0x5] =	wrdreg $0xA0F00  }
0xb3: {  	[dreg:$0x6] =	wrdreg $0x9  }
0xb4: {  	_ =	task.clear_ibuf [dreg:s8], $0x7FFFF;
	_ =	strace $0x90000046  }
0xb5: {  	s29 =	simm.s32 $0x9;
	_ =	strace $0x80000048  }
0xb6: {  	_ =	swait.ge [sflag:s29], $0x1  }
0xb7: {  	[sflag:s29] =	ssyncadd.s32 $0xFFFFFFFF  }
0xb8: {  	_ =	strace $0x90000048  }
0xb9: {  	_ =	sfence  }
0xba: {  	s30 =	sld [smem:$0x0];
	_ =	sdelay $0x2  }
0xbb: {  	s31 =	sshll.u32 s1, $0xD;
	s1 =	sshrl.u32 s1, $0x2  }
0xbc: {  	s3 =	sand.u32 $0x4000, s31;
	s1 =	sadd.s32 s1, s30  }
0xbd: {  	s0 =	sor.u32 s3, s0;
	s1 =	sshll.u32 s1, $0x11  }
0xbe: {  	s0 =	sor.u32 s1, s0  }
0xbf: {  	s0 =	sadd.s32 $0x8F2B, s0  }
0xc0: {  	[sflag:s0] =	ssyncadd.remote.s32 $0x1  }
0xc1: {  	_ =	sfence.sel $0xFFFF  }
0xc2: {  	[dreg:$0x0] =	wrdreg $0xFFFFFFFF;
	(pc) =	sbr.abs _section_cstart, $3  }
0xc3: {  	[dreg:$0x1] =	wrdreg $0xFFFFFFFF  }
0xc4: {  	_ =	task.clear_ibuf [dreg:s8], $0x2FFFF;
	_ =	strace $0x9FFFFFFF  }
0xc5: {  	(tm) =	ssettm $0x7FFFFFFF  }
tec
execute0_lowered:
.L_overlay_start_1:
0x0: {  	(tag) =	ssettag $0x1  }
0x1: {  	s1 =	rddreg [dreg:$0x0]  }
0x2: {  	s2 =	rddreg [dreg:$0x1]  }
0x3: {  	s0 =	rddreg [dreg:$0x2]  }
0x4: {  	s3 =	rddreg [dreg:$0x3];
	s4 =	srdreg.scid  }
0x5: {  	s5 =	simm.s32 $0x0;
	s14 =	stileid.u32;
	s28 =	simm.s32 $0x78F0  }
0x6: {  	s29 =	simm.s32 $0x7940;
	s30 =	simm.s32 $0x7;
	s31 =	simm.s32 $0x50  }
0x7: {  	s4 =	sand.u32 $0x1, s4;
	[smem:$0x7FF] =	sst s5;
	s8 =	sadd.s32 $0xC000, s0  }
0x8: {  	s21 =	sadd.s32 $0xBA00, s0;
	s10 =	smul.u32 $0x13800, s14;
	s11 =	sadd.s32 $0x18600, s0  }
0x9: {  	s12 =	sshll.u32 s14, $0x6;
	s25 =	sadd.s32 $0x138000, s3;
	s13 =	smul.u32 $0x2710, s14  }
0xa: {  	p0 =	sne.s32 s14, $0xF;
	_ =	strace $0x80000047;
	[dreg:$0x9] =	wrdreg s8  }
0xb: {  	s6 =	sshll.u32 s4, $0x4;
	[dreg:$0xa] =	wrdreg s21;
	s22 =	ssub.s32 $0x2, s4  }
0xc: {  	s24 =	smul.u32 $0x138800, s4;
	[dreg:$0xc] =	wrdreg s12;
	s12 =	sor.u32 $0x1C0E, s12  }
0xd: {  	[dreg:$0xe] =	wrdreg s25;
	s4 =	smul.u32 $0x27100, s4;
	s7 =	sor.u32 s14, s6  }
0xe: {  	s6 =	sadd.s32 $0x1C00, s0;
	s9 =	sshrl.u32 s22, $0x1;
	s23 =	sadd.s32 s10, s3  }
0xf: {  	[dreg:$0xd] =	wrdreg s12;
	s14 =	simm.s32 $0x9;
	s7 =	smul.u32 $0x2710, s7  }
0x10: {  	s8 =	ssub.s32 s22, s9;
	[dreg:$0xb] =	wrdreg s23;
	s9 =	sshrl.u32 s24, $0x3  }
0x11: {  	s4 =	sadd.s32 s13, s4;
	s13 =	simm.s32 $0x4;
	s17 =	sadd.s32 s11, s9  }
0x12: {  	s21 =	smax.u32 s8, $0x1;
	s22 =	sadd.s32 $0x190, s4;
	s9 =	simm.s32 $0xD  }
0x13: {  	s7 =	sshrl.u32 s7, $0x3;
	s19 =	sadd.s32 $0x27000, s17;
	[dreg:$0x17] =	wrdreg s21  }
0x14: {  	s0 =	sadd.s32 s7, s0;
	s15 =	sadd.s32 s2, s7;
	[dreg:$0x16] =	wrdreg s19  }
0x15: {  	s26 =	sadd.s32 $0xA, s7;
	s7 =	sadd.s32 s6, s7;
	[dreg:$0xf] =	wrdreg s15  }
0x16: {  	s8 =	simm.s32 $0x0;
	s16 =	sadd.s32 s2, s26;
	[dreg:$0x12] =	wrdreg s7  }
0x17: {  	s21 =	simm.s32 $0xE;
	s15 =	sadd.s32 $0x14, s15;
	[dreg:$0x10] =	wrdreg s16  }
0x18: {  	s17 =	simm.s32 $0xB;
	s12 =	sadd.s32 s6, s26;
	[dreg:$0x11] =	wrdreg s15  }
0x19: {  	s19 =	simm.s32 $0xC;
	s0 =	sadd.s32 $0xE800, s0;
	[dreg:$0x13] =	wrdreg s12  }
0x1a: {  	s15 =	sadd.s32 s10, s24;
	s16 =	sadd.s32 $0x140, s4;
	[dreg:$0x15] =	wrdreg s0  }
0x1b: {  	s0 =	sshrl.u32 s22, $0x3;
	s24 =	sadd.s32 $0xA0, s4;
	s4 =	sadd.s32 $0xF0, s4  }
0x1c: {  	s12 =	simm.s32 $0xA;
	s10 =	simm.s32 $0x2;
	s7 =	sshrl.u32 s15, $0x3  }
0x1d: {  	s18 =	sshrl.u32 s16, $0x3;
	s0 =	sadd.s32 s0, s2;
	s25 =	sshrl.u32 s24, $0x3  }
0x1e: {  	[dreg:$0x18] =	wrdreg s4;
	s24 =	simm.s32 $0x7800;
	s4 =	simm.s32 $0x2800  }
0x1f: {  	s15 =	simm.s32 $0x5000;
	s7 =	sadd.s32 s11, s7;
	[dreg:$0x7] =	wrdreg s0  }
0x20: {  	s16 =	simm.s32 $0x7990;
	s20 =	sadd.s32 s18, s6;
	[dreg:$0x14] =	wrdreg s7  }
0x21: {  	s23 =	sadd.s32 s18, s2;
	s26 =	sadd.s32 s25, s6;
	[dreg:$0x5] =	wrdreg s20  }
0x22: {  	s25 =	simm.s32 $0x7850;
	s0 =	simm.s32 $0x8;
	[dreg:$0x6] =	wrdreg s23  }
0x23: {  	s11 =	simm.s32 $0x1;
	s18 =	simm.s32 $0x3;
	[dreg:$0x8] =	wrdreg s26  }
0x24: {  	s23 =	simm.s32 $0x79E0;
	s26 =	simm.s32 $0x78A0;
	s20 =	simm.s32 $0x5  }
.LBB2_1:
0x25: {  	[dreg:$0x19] =	wrdreg s8  }
0x26: {  	s7 =	rddreg [dreg:$0xa]  }
0x27: {  	s8 =	rddreg [dreg:$0xb]  }
0x28: {  	[tilespmem:s23], [sflag:$0xD] =	stream.linear.gather [hbm4b:s7+s5], $0x2710, $0x38;
	[tilespmem:$0x1D970] =	vst v63  }
0x29: {  	s7 =	rddreg [dreg:$0x9]  }
0x2a: {  	s22 =	sshrl.u32 s8, $0x3;
	s8 =	rddreg [dreg:$0xd]  }
0x2b: {  	[dreg:$0x1b] =	wrdreg s22  }
0x2c: {  	[spmem:s22], [sflag:s8] =	dma.local [hbm:s7], $0x2700  }
0x2d: {  	s8 =	rddreg [dreg:$0xe]  }
0x2e: {  	s22 =	sshrl.u32 @!p0 s8, $0x3  }
0x2f: {  	s8 =	simm.s32 @!p0 $0x1FCF;
	[dreg:$0x1a] =	wrdreg s22  }
0x30: {  	[spmem:s22], [sflag:s8] =	dma.local @!p0 [hbm:s7], $0x100  }
0x31: {  	s8 =	simm.s32 @!p0 $0xF  }
0x32: {  	_ =	swait.ge @!p0 [sflag:s8], $0x100  }
0x33: {  	[sflag:s8] =	ssyncset.done @!p0 $0x0  }
0x34: {  	s22 =	rddreg [dreg:$0xf];
	[sflag:s8] =	ssyncadd.s32 @!p0 $0xFFFFFF00  }
0x35: {  	[tilespmem:s24], [sflag:$0x7] =	stream.linear.gather [hbm4b:s22+s5], $0x50, $0x38;
	[tilespmem:$0x1D970] =	vst v63  }
0x36: {  	s8 =	rddreg [dreg:$0x10]  }
0x37: {  	[tilespmem:s25], [sflag:$0x8] =	stream.linear.gather [hbm4b:s8+s5], $0x50, $0x38;
	[tilespmem:$0x1D970] =	vst v63  }
0x38: {  	s22 =	rddreg [dreg:$0x11]  }
0x39: {  	[tilespmem:s26], [sflag:$0x9] =	stream.linear.gather [hbm4b:s22+s5], $0x50, $0x38;
	[tilespmem:$0x1D970] =	vst v63  }
0x3a: {  	s8 =	rddreg [dreg:$0x12]  }
0x3b: {  	[tilespmem:s28], [sflag:$0xA] =	stream.linear.gather [hbm4b:s8+s5], $0x50, $0x38;
	[tilespmem:$0x1D970] =	vst v63  }
0x3c: {  	s22 =	rddreg [dreg:$0x13]  }
0x3d: {  	[tilespmem:s29], [sflag:$0xB] =	stream.linear.gather [hbm4b:s22+s5], $0x50, $0x38;
	[tilespmem:$0x1D970] =	vst v63  }
0x3e: {  	_ =	swait.ge [sflag:s30], $0x50  }
0x3f: {  	[sflag:s30] =	ssyncset.done $0x0  }
0x40: {  	[sflag:s30] =	ssyncadd.s32 $0xFFFFFFB0  }
0x41: {  	[tilespmem:s5], [sflag:$0x1] =	stream.indirect.gather [hbm4b:s1+s31], $0x80, s24, s31, $0xb8;
	[tilespmem:$0x1D970] =	vst v63  }
0x42: {  	_ =	swait.ge [sflag:s0], $0x50  }
0x43: {  	[sflag:s0] =	ssyncset.done $0x0  }
0x44: {  	[sflag:s0] =	ssyncadd.s32 $0xFFFFFFB0  }
0x45: {  	[tilespmem:s4], [sflag:$0x2] =	stream.indirect.gather [hbm4b:s1+s31], $0x80, s25, s31, $0xb8;
	[tilespmem:$0x1D970] =	vst v63  }
0x46: {  	_ =	swait.ge [sflag:s9], $0x2710  }
0x47: {  	[sflag:s9] =	ssyncset.done $0x0  }
0x48: {  	[sflag:s9] =	ssyncadd.s32 $0xFFFFD8F0  }
0x49: {  	_ =	swait.ge [sflag:s21], $0x2700  }
0x4a: {  	[sflag:s21] =	ssyncset.done $0x0  }
0x4b: {  	[sflag:s21] =	ssyncadd.s32 $0xFFFFD900  }
0x4c: {  	[bflag:$0x0] =	sbarrier.arrive $0xFFFF  }
0x4d: {  	s9 =	simm.s32 $0x0;
	s8 =	rddreg [dreg:$0x18]  }
.LBB2_2:
0x4e: {  	_ =	swait.ge [sflag:s11], $0x2800  }
0x4f: {  	[sflag:s11] =	ssyncset.done $0x0  }
0x50: {  	[sflag:s11] =	ssyncadd.s32 $0xFFFFD800  }
0x51: {  	_ =	swait.ge [sflag:s12], $0x50  }
0x52: {  	p1 =	seq.s32 s9, $0x0;
	[sflag:s12] =	ssyncset.done $0x0  }
0x53: {  	s21 =	simm.s32 @!p1 $0x6;
	[sflag:s12] =	ssyncadd.s32 $0xFFFFFFB0  }
0x54: {  	[spmem:s3] =	stream.indirect.scatter.add.f32 [tilespmem:s5], [sflag:$0x4], $0x80, s28, s31, $0xb8;
	[tilespmem:$0x1D970] =	vst v63  }
0x55: {  	_ =	swait.ge @!p1 [sflag:s21], $0x2800  }
0x56: {  	[sflag:s21] =	ssyncset.done @!p1 $0x0  }
0x57: {  	[sflag:s21] =	ssyncadd.s32 @!p1 $0xFFFFD800  }
0x58: {  	_ =	swait.ge [sflag:s14], $0x50  }
0x59: {  	[sflag:s14] =	ssyncset.done $0x0  }
0x5a: {  	s7 =	rddreg [dreg:$0x8];
	[sflag:s14] =	ssyncadd.s32 $0xFFFFFFB0  }
0x5b: {  	[tilespmem:s15], [sflag:$0x3] =	stream.indirect.gather [hbm4b:s1+s31], $0x80, s26, s31, $0xb8;
	[tilespmem:$0x1D970] =	vst v63  }
0x5c: {  	s21 =	sadd.s32 s9, s7  }
0x5d: {  	[tilespmem:s16], [sflag:$0xC] =	stream.linear.gather [hbm4b:s21+s5], $0x50, $0x38;
	[tilespmem:$0x1D970] =	vst v63  }
0x5e: {  	s21 =	sshrl.u32 s8, $0x3  }
0x5f: {  	s7 =	sadd.s32 s2, s21  }
0x60: {  	[tilespmem:s24], [sflag:$0x7] =	stream.linear.gather [hbm4b:s7+s5], $0x50, $0x38;
	[tilespmem:$0x1D970] =	vst v63  }
0x61: {  	v0 =	vld [tilespmem:$0x78F0];
	_ =	sdelay $0x4  }
0x62: {  	(xrf1) =	vunique.msk.u32 $0xffff, v0;
	_ =	sdelay $0xd  }
0x63: {  	_, v1, vm0 =	vpop (xrf1);
	_ =	sdelay $0x3  }
0x64: {  	v1 =	vcvt.s32.f32 v1;
	_ =	sdelay $0x1  }
0x65: {  	[tilespmem:v0+s23+$0x0] =	vst.idx.add.f32.msk vm0, v1  }
0x66: {  	v0 =	vld [tilespmem:$0x7900];
	_ =	sdelay $0x4  }
0x67: {  	(xrf1) =	vunique.msk.u32 $0xffff, v0;
	_ =	sdelay $0xd  }
0x68: {  	_, v1, vm0 =	vpop (xrf1);
	_ =	sdelay $0x3  }
0x69: {  	v1 =	vcvt.s32.f32 v1;
	_ =	sdelay $0x1  }
0x6a: {  	[tilespmem:v0+s23+$0x0] =	vst.idx.add.f32.msk vm0, v1  }
0x6b: {  	v0 =	vld [tilespmem:$0x7910];
	_ =	sdelay $0x4  }
0x6c: {  	(xrf1) =	vunique.msk.u32 $0xffff, v0;
	_ =	sdelay $0xd  }
0x6d: {  	_, v1, vm0 =	vpop (xrf1);
	_ =	sdelay $0x3  }
0x6e: {  	v1 =	vcvt.s32.f32 v1;
	_ =	sdelay $0x1  }
0x6f: {  	[tilespmem:v0+s23+$0x0] =	vst.idx.add.f32.msk vm0, v1  }
0x70: {  	v0 =	vld [tilespmem:$0x7920];
	_ =	sdelay $0x4  }
0x71: {  	(xrf1) =	vunique.msk.u32 $0xffff, v0;
	_ =	sdelay $0xd  }
0x72: {  	_, v1, vm0 =	vpop (xrf1);
	_ =	sdelay $0x3  }
0x73: {  	v1 =	vcvt.s32.f32 v1;
	_ =	sdelay $0x1  }
0x74: {  	[tilespmem:v0+s23+$0x0] =	vst.idx.add.f32.msk vm0, v1  }
0x75: {  	v0 =	vld [tilespmem:$0x7930];
	_ =	sdelay $0x4  }
0x76: {  	(xrf1) =	vunique.msk.u32 $0xffff, v0;
	_ =	sdelay $0xd  }
0x77: {  	_, v1, vm0 =	vpop (xrf1);
	_ =	sdelay $0x3  }
0x78: {  	v1 =	vcvt.s32.f32 v1;
	_ =	sdelay $0x1  }
0x79: {  	[tilespmem:v0+s23+$0x0] =	vst.idx.add.f32.msk vm0, v1  }
0x7a: {  	_ =	swait.ge [sflag:s10], $0x2800  }
0x7b: {  	[sflag:s10] =	ssyncset.done $0x0  }
0x7c: {  	[sflag:s10] =	ssyncadd.s32 $0xFFFFD800  }
0x7d: {  	_ =	swait.ge [sflag:s17], $0x50  }
0x7e: {  	[sflag:s17] =	ssyncset.done $0x0  }
0x7f: {  	[sflag:s17] =	ssyncadd.s32 $0xFFFFFFB0  }
0x80: {  	[spmem:s3] =	stream.indirect.scatter.add.f32 [tilespmem:s4], [sflag:$0x5], $0x80, s29, s31, $0xb8;
	[tilespmem:$0x1D970] =	vst v63  }
0x81: {  	_ =	swait.ge [sflag:s13], $0x2800  }
0x82: {  	[sflag:s13] =	ssyncset.done $0x0  }
0x83: {  	[sflag:s13] =	ssyncadd.s32 $0xFFFFD800  }
0x84: {  	_ =	swait.ge [sflag:s30], $0x50  }
0x85: {  	[sflag:s30] =	ssyncset.done $0x0  }
0x86: {  	[sflag:s30] =	ssyncadd.s32 $0xFFFFFFB0  }
0x87: {  	[tilespmem:s5], [sflag:$0x1] =	stream.indirect.gather [hbm4b:s1+s31], $0x80, s24, s31, $0xb8;
	[tilespmem:$0x1D970] =	vst v63  }
0x88: {  	s21 =	sadd.s32 s6, s21;
	s22 =	rddreg [dreg:$0x6]  }
0x89: {  	[tilespmem:s28], [sflag:$0xA] =	stream.linear.gather [hbm4b:s21+s5], $0x50, $0x38;
	[tilespmem:$0x1D970] =	vst v63  }
0x8a: {  	s7 =	sadd.s32 s9, s22  }
0x8b: {  	[tilespmem:s25], [sflag:$0x8] =	stream.linear.gather [hbm4b:s7+s5], $0x50, $0x38;
	[tilespmem:$0x1D970] =	vst v63  }
0x8c: {  	v62 =	vld [tilespmem:$0x7940];
	_ =	sdelay $0x4  }
0x8d: {  	(xrf1) =	vunique.msk.u32 $0xffff, v62;
	_ =	sdelay $0xd  }
0x8e: {  	_, v1, vm0 =	vpop (xrf1);
	_ =	sdelay $0x3  }
0x8f: {  	v1 =	vcvt.s32.f32 v1;
	_ =	sdelay $0x1  }
0x90: {  	[tilespmem:v62+s23+$0x0] =	vst.idx.add.f32.msk vm0, v1  }
0x91: {  	v0 =	vld [tilespmem:$0x7950];
	_ =	sdelay $0x4  }
0x92: {  	(xrf1) =	vunique.msk.u32 $0xffff, v0;
	_ =	sdelay $0xd  }
0x93: {  	_, v1, vm0 =	vpop (xrf1);
	_ =	sdelay $0x3  }
0x94: {  	v1 =	vcvt.s32.f32 v1;
	_ =	sdelay $0x1  }
0x95: {  	[tilespmem:v0+s23+$0x0] =	vst.idx.add.f32.msk vm0, v1  }
0x96: {  	v0 =	vld [tilespmem:$0x7960];
	_ =	sdelay $0x4  }
0x97: {  	(xrf1) =	vunique.msk.u32 $0xffff, v0;
	_ =	sdelay $0xd  }
0x98: {  	_, v1, vm0 =	vpop (xrf1);
	_ =	sdelay $0x3  }
0x99: {  	v1 =	vcvt.s32.f32 v1;
	_ =	sdelay $0x1  }
0x9a: {  	[tilespmem:v0+s23+$0x0] =	vst.idx.add.f32.msk vm0, v1  }
0x9b: {  	v0 =	vld [tilespmem:$0x7970];
	_ =	sdelay $0x4  }
0x9c: {  	(xrf1) =	vunique.msk.u32 $0xffff, v0;
	_ =	sdelay $0xd  }
0x9d: {  	_, v1, vm0 =	vpop (xrf1);
	_ =	sdelay $0x3  }
0x9e: {  	v1 =	vcvt.s32.f32 v1;
	_ =	sdelay $0x1  }
0x9f: {  	[tilespmem:v0+s23+$0x0] =	vst.idx.add.f32.msk vm0, v1  }
0xa0: {  	v0 =	vld [tilespmem:$0x7980];
	_ =	sdelay $0x4  }
0xa1: {  	(xrf1) =	vunique.msk.u32 $0xffff, v0;
	_ =	sdelay $0xd  }
0xa2: {  	_, v1, vm0 =	vpop (xrf1);
	_ =	sdelay $0x3  }
0xa3: {  	v1 =	vcvt.s32.f32 v1;
	_ =	sdelay $0x1  }
0xa4: {  	[tilespmem:v0+s23+$0x0] =	vst.idx.add.f32.msk vm0, v1  }
0xa5: {  	_ =	swait.ge [sflag:s18], $0x2800  }
0xa6: {  	[sflag:s18] =	ssyncset.done $0x0  }
0xa7: {  	[sflag:s18] =	ssyncadd.s32 $0xFFFFD800  }
0xa8: {  	_ =	swait.ge [sflag:s19], $0x50  }
0xa9: {  	[sflag:s19] =	ssyncset.done $0x0  }
0xaa: {  	[sflag:s19] =	ssyncadd.s32 $0xFFFFFFB0  }
0xab: {  	[spmem:s3] =	stream.indirect.scatter.add.f32 [tilespmem:s15], [sflag:$0x6], $0x80, s16, s31, $0xb8;
	[tilespmem:$0x1D970] =	vst v63  }
0xac: {  	_ =	swait.ge [sflag:s20], $0x2800  }
0xad: {  	[sflag:s20] =	ssyncset.done $0x0  }
0xae: {  	[sflag:s20] =	ssyncadd.s32 $0xFFFFD800  }
0xaf: {  	_ =	swait.ge [sflag:s0], $0x50  }
0xb0: {  	[sflag:s0] =	ssyncset.done $0x0  }
0xb1: {  	s22 =	rddreg [dreg:$0x5];
	[sflag:s0] =	ssyncadd.s32 $0xFFFFFFB0  }
0xb2: {  	[tilespmem:s4], [sflag:$0x2] =	stream.indirect.gather [hbm4b:s1+s31], $0x80, s25, s31, $0xb8;
	[tilespmem:$0x1D970] =	vst v63  }
0xb3: {  	p1 =	seq.s32 s9, $0x4B0;
	s21 =	rddreg [dreg:$0x7];
	s7 =	sadd.s32 s9, s22  }
0xb4: {  	[tilespmem:s29], [sflag:$0xB] =	stream.linear.gather [hbm4b:s7+s5], $0x50, $0x38;
	[tilespmem:$0x1D970] =	vst v63  }
0xb5: {  	s22 =	simm.s32 @!p1 $0x78A0;
	s7 =	sadd.s32 @!p1 s9, s21;
	s21 =	simm.s32 @!p1 $0x0  }
0xb6: {  	[tilespmem:s22], [sflag:$0x9] =	stream.linear.gather @!p1 [hbm4b:s7+s21], $0x50, $0x38;
	[tilespmem:$0x1D970] =	vst v63  }
0xb7: {  	v63 =	vld [tilespmem:$0x7990];
	_ =	sdelay $0x4  }
0xb8: {  	(xrf1) =	vunique.msk.u32 $0xffff, v63;
	_ =	sdelay $0xd  }
0xb9: {  	_, v1, vm0 =	vpop (xrf1);
	_ =	sdelay $0x3  }
0xba: {  	v1 =	vcvt.s32.f32 v1;
	_ =	sdelay $0x1  }
0xbb: {  	[tilespmem:v63+s23+$0x0] =	vst.idx.add.f32.msk vm0, v1  }
0xbc: {  	v0 =	vld [tilespmem:$0x79A0];
	_ =	sdelay $0x4  }
0xbd: {  	(xrf1) =	vunique.msk.u32 $0xffff, v0;
	_ =	sdelay $0xd  }
0xbe: {  	_, v1, vm0 =	vpop (xrf1);
	_ =	sdelay $0x3  }
0xbf: {  	v1 =	vcvt.s32.f32 v1;
	_ =	sdelay $0x1  }
0xc0: {  	[tilespmem:v0+s23+$0x0] =	vst.idx.add.f32.msk vm0, v1  }
0xc1: {  	v0 =	vld [tilespmem:$0x79B0];
	_ =	sdelay $0x4  }
0xc2: {  	(xrf1) =	vunique.msk.u32 $0xffff, v0;
	_ =	sdelay $0xd  }
0xc3: {  	_, v1, vm0 =	vpop (xrf1);
	_ =	sdelay $0x3  }
0xc4: {  	v1 =	vcvt.s32.f32 v1;
	_ =	sdelay $0x1  }
0xc5: {  	[tilespmem:v0+s23+$0x0] =	vst.idx.add.f32.msk vm0, v1  }
0xc6: {  	v0 =	vld [tilespmem:$0x79C0];
	_ =	sdelay $0x4  }
0xc7: {  	(xrf1) =	vunique.msk.u32 $0xffff, v0;
	_ =	sdelay $0xd  }
0xc8: {  	_, v1, vm0 =	vpop (xrf1);
	_ =	sdelay $0x3  }
0xc9: {  	v1 =	vcvt.s32.f32 v1;
	_ =	sdelay $0x1  }
0xca: {  	[tilespmem:v0+s23+$0x0] =	vst.idx.add.f32.msk vm0, v1  }
0xcb: {  	v0 =	vld [tilespmem:$0x79D0];
	_ =	sdelay $0x4  }
0xcc: {  	(xrf1) =	vunique.msk.u32 $0xffff, v0;
	_ =	sdelay $0xd  }
0xcd: {  	s9 =	sadd.s32 $0x1E, s9;
	_, v1, vm0 =	vpop (xrf1)  }
0xce: {  	p1 =	sne.s32 s9, $0x4CE  }
.Ltmp0:
0xcf: {  	_ = 	snop;
	(pc) =	sbr.rel @p1 .LBB2_2-.Ltmp0, $3  }
0xd0: {  	_ = 	snop  }
0xd1: {  	v1 =	vcvt.s32.f32 v1;
	_ =	sdelay $0x1  }
0xd2: {  	s8 =	sadd.s32 $0xF0, s8;
	[tilespmem:v0+s23+$0x0] =	vst.idx.add.f32.msk vm0, v1  }
0xd3: {  	_ =	swait.ge [sflag:s11], $0x2800  }
0xd4: {  	[sflag:s11] =	ssyncset.done $0x0  }
0xd5: {  	[sflag:s11] =	ssyncadd.s32 $0xFFFFD800  }
0xd6: {  	_ =	swait.ge [sflag:s12], $0x50  }
0xd7: {  	[sflag:s12] =	ssyncset.done $0x0  }
0xd8: {  	[sflag:s12] =	ssyncadd.s32 $0xFFFFFFB0  }
0xd9: {  	[spmem:s3] =	stream.indirect.scatter.add.f32 [tilespmem:s5], [sflag:$0x4], $0x80, s28, s31, $0xb8;
	[tilespmem:$0x1D970] =	vst v63  }
0xda: {  	v0 =	vld [tilespmem:$0x78F0];
	_ =	sdelay $0x4  }
0xdb: {  	(xrf1) =	vunique.msk.u32 $0xffff, v0;
	_ =	sdelay $0xd  }
0xdc: {  	_, v1, vm0 =	vpop (xrf1);
	_ =	sdelay $0x3  }
0xdd: {  	v1 =	vcvt.s32.f32 v1;
	_ =	sdelay $0x1  }
0xde: {  	[tilespmem:v0+s23+$0x0] =	vst.idx.add.f32.msk vm0, v1  }
0xdf: {  	v0 =	vld [tilespmem:$0x7900];
	_ =	sdelay $0x4  }
0xe0: {  	(xrf1) =	vunique.msk.u32 $0xffff, v0;
	_ =	sdelay $0xd  }
0xe1: {  	_, v1, vm0 =	vpop (xrf1);
	_ =	sdelay $0x3  }
0xe2: {  	v1 =	vcvt.s32.f32 v1;
	_ =	sdelay $0x1  }
0xe3: {  	[tilespmem:v0+s23+$0x0] =	vst.idx.add.f32.msk vm0, v1  }
0xe4: {  	v0 =	vld [tilespmem:$0x7910];
	_ =	sdelay $0x4  }
0xe5: {  	(xrf1) =	vunique.msk.u32 $0xffff, v0;
	_ =	sdelay $0xd  }
0xe6: {  	_, v1, vm0 =	vpop (xrf1);
	_ =	sdelay $0x3  }
0xe7: {  	v1 =	vcvt.s32.f32 v1;
	_ =	sdelay $0x1  }
0xe8: {  	[tilespmem:v0+s23+$0x0] =	vst.idx.add.f32.msk vm0, v1  }
0xe9: {  	v0 =	vld [tilespmem:$0x7920];
	_ =	sdelay $0x4  }
0xea: {  	(xrf1) =	vunique.msk.u32 $0xffff, v0;
	_ =	sdelay $0xd  }
0xeb: {  	_, v1, vm0 =	vpop (xrf1);
	_ =	sdelay $0x3  }
0xec: {  	v1 =	vcvt.s32.f32 v1;
	_ =	sdelay $0x1  }
0xed: {  	[tilespmem:v0+s23+$0x0] =	vst.idx.add.f32.msk vm0, v1  }
0xee: {  	v0 =	vld [tilespmem:$0x7930];
	_ =	sdelay $0x4  }
0xef: {  	(xrf1) =	vunique.msk.u32 $0xffff, v0;
	_ =	sdelay $0xd  }
0xf0: {  	_, v1, vm0 =	vpop (xrf1);
	_ =	sdelay $0x3  }
0xf1: {  	v1 =	vcvt.s32.f32 v1;
	_ =	sdelay $0x1  }
0xf2: {  	s7 =	simm.s32 $0x6;
	[tilespmem:v0+s23+$0x0] =	vst.idx.add.f32.msk vm0, v1  }
0xf3: {  	_ =	swait.ge [sflag:s7], $0x2800  }
0xf4: {  	[sflag:s7] =	ssyncset.done $0x0  }
0xf5: {  	[sflag:s7] =	ssyncadd.s32 $0xFFFFD800  }
0xf6: {  	_ =	swait.ge [sflag:s10], $0x2800  }
0xf7: {  	[sflag:s10] =	ssyncset.done $0x0  }
0xf8: {  	[sflag:s10] =	ssyncadd.s32 $0xFFFFD800  }
0xf9: {  	_ =	swait.ge [sflag:s17], $0x50  }
0xfa: {  	[sflag:s17] =	ssyncset.done $0x0  }
0xfb: {  	[sflag:s17] =	ssyncadd.s32 $0xFFFFFFB0  }
0xfc: {  	[spmem:s3] =	stream.indirect.scatter.add.f32 [tilespmem:s4], [sflag:$0x5], $0x80, s29, s31, $0xb8;
	[tilespmem:$0x1D970] =	vst v63  }
0xfd: {  	v63 =	vld [tilespmem:$0x7940];
	_ =	sdelay $0x4  }
0xfe: {  	(xrf1) =	vunique.msk.u32 $0xffff, v63;
	_ =	sdelay $0xd  }
0xff: {  	_, v1, vm0 =	vpop (xrf1);
	_ =	sdelay $0x3  }
0x100: {  	v1 =	vcvt.s32.f32 v1;
	_ =	sdelay $0x1  }
0x101: {  	[tilespmem:v63+s23+$0x0] =	vst.idx.add.f32.msk vm0, v1  }
0x102: {  	v0 =	vld [tilespmem:$0x7950];
	_ =	sdelay $0x4  }
0x103: {  	(xrf1) =	vunique.msk.u32 $0xffff, v0;
	_ =	sdelay $0xd  }
0x104: {  	_, v1, vm0 =	vpop (xrf1);
	_ =	sdelay $0x3  }
0x105: {  	v1 =	vcvt.s32.f32 v1;
	_ =	sdelay $0x1  }
0x106: {  	[tilespmem:v0+s23+$0x0] =	vst.idx.add.f32.msk vm0, v1  }
0x107: {  	v0 =	vld [tilespmem:$0x7960];
	_ =	sdelay $0x4  }
0x108: {  	(xrf1) =	vunique.msk.u32 $0xffff, v0;
	_ =	sdelay $0xd  }
0x109: {  	_, v1, vm0 =	vpop (xrf1);
	_ =	sdelay $0x3  }
0x10a: {  	v1 =	vcvt.s32.f32 v1;
	_ =	sdelay $0x1  }
0x10b: {  	[tilespmem:v0+s23+$0x0] =	vst.idx.add.f32.msk vm0, v1  }
0x10c: {  	v0 =	vld [tilespmem:$0x7970];
	_ =	sdelay $0x4  }
0x10d: {  	(xrf1) =	vunique.msk.u32 $0xffff, v0;
	_ =	sdelay $0xd  }
0x10e: {  	_, v1, vm0 =	vpop (xrf1);
	_ =	sdelay $0x3  }
0x10f: {  	v1 =	vcvt.s32.f32 v1;
	_ =	sdelay $0x1  }
0x110: {  	[tilespmem:v0+s23+$0x0] =	vst.idx.add.f32.msk vm0, v1  }
0x111: {  	v0 =	vld [tilespmem:$0x7980];
	_ =	sdelay $0x4  }
0x112: {  	(xrf1) =	vunique.msk.u32 $0xffff, v0;
	_ =	sdelay $0xd  }
0x113: {  	_, v1, vm0 =	vpop (xrf1);
	_ =	sdelay $0x3  }
0x114: {  	v1 =	vcvt.s32.f32 v1;
	_ =	sdelay $0x1  }
0x115: {  	[tilespmem:v0+s23+$0x0] =	vst.idx.add.f32.msk vm0, v1  }
0x116: {  	_ =	swait.ge [sflag:s13], $0x2800  }
0x117: {  	[sflag:s13] =	ssyncset.done $0x0  }
0x118: {  	[sflag:s13] =	ssyncadd.s32 $0xFFFFD800  }
0x119: {  	_ =	swait.ge [sflag:s20], $0x2800  }
0x11a: {  	[sflag:s20] =	ssyncset.done $0x0  }
0x11b: {  	[sflag:s20] =	ssyncadd.s32 $0xFFFFD800  }
0x11c: {  	[bflag:$0x0] =	sbarrier.arrive $0xFFFF  }
0x11d: {  	s22 =	rddreg [dreg:$0xc]  }
0x11e: {  	s8 =	rddreg [dreg:$0x14]  }
0x11f: {  	s9 =	rddreg [dreg:$0x1b];
	s7 =	sor.u32 $0x1C0D, s22  }
0x120: {  	[hbm:s8], [sflag:s7] =	dma.local [spmem:s9], $0x2700  }
0x121: {  	s7 =	rddreg [dreg:$0x15]  }
0x122: {  	s8 =	rddreg [dreg:$0x16]  }
0x123: {  	[hbm4b:s7+s5] =	stream.linear.scatter [tilespmem:s23], [sflag:$0xE], $0x2710, $0x38;
	[tilespmem:$0x1D970] =	vst v63  }
0x124: {  	s9 =	rddreg [dreg:$0x1a];
	s7 =	simm.s32 @!p0 $0x1FCF  }
0x125: {  	[hbm:s8], [sflag:s7] =	dma.local @!p0 [spmem:s9], $0x100  }
0x126: {  	s7 =	simm.s32 @!p0 $0xF  }
0x127: {  	_ =	swait.ge @!p0 [sflag:s7], $0x100  }
0x128: {  	[sflag:s7] =	ssyncset.done @!p0 $0x0  }
0x129: {  	s9 =	simm.s32 $0xD;
	[sflag:s7] =	ssyncadd.s32 @!p0 $0xFFFFFF00  }
0x12a: {  	_ =	swait.ge [sflag:s9], $0x2700  }
0x12b: {  	[sflag:s9] =	ssyncset.done $0x0  }
0x12c: {  	s21 =	simm.s32 $0xE;
	[sflag:s9] =	ssyncadd.s32 $0xFFFFD900  }
0x12d: {  	_ =	swait.ge [sflag:s21], $0x2710  }
0x12e: {  	s7 =	rddreg [dreg:$0x19]  }
0x12f: {  	s22 =	rddreg [dreg:$0x17];
	s8 =	sadd.s32 $0x1, s7  }
0x130: {  	p1 =	sne.s32 s8, s22  }
.Ltmp1:
0x131: {  	_ = 	snop;
	(pc) =	sbr.rel @p1 .LBB2_1-.Ltmp1, $3  }
0x132: {  	_ =	sdelay $0x1  }
0x133: {  	[sflag:s21] =	ssyncset.done $0x0  }
0x134: {  	[sflag:s21] =	ssyncadd.s32 $0xFFFFD8F0  }
0x135: {  	_ =	sfence.sel $0x180000  }
0x136: {  	[bflag:$0x0] =	sbarrier.arrive $0xFFFF  }
0x137: {  	_ =	strace $0x90000047  }
0x138: {  	s0 =	stileid.u32;
	[bflag:$0x2] =	sbarrier.arrive $0xFFFF  }
0x139: {  	p0 =	sne.s32 s0, $0x0;
	s0 =	rddreg [dreg:$0x4]  }
0x13a: {  	s0 =	sadd.s32 @!p0 $0x100000, s0  }
0x13b: {  	[sflag:s0] =	ssyncadd.tile.s32 @!p0 $0x1;
	_ =	shalt  }
.Lfunc_end2:
_tile_overlayer_lowered:
.L_overlay_start_2:
0x13c: {  	(tag) =	ssettag $0x2  }
0x13d: {  	s0 =	rddreg [dreg:$0x0];
	s2 =	stileid.u32  }
0x13e: {  	s1 =	rddreg [dreg:$0x1];
	p0 =	sne.s32 s2, $0x0  }
0x13f: {  	s3 =	rddreg [dreg:$0x2];
	[bflag:$0x3] =	sbarrier.arrive $0xFFFF;
	s2 =	simm.s32 @!p0 $0x1C0F  }
0x140: {  	[timem:s3], [sflag:s2] =	dma.local @!p0 [hbm:s0], s1  }
0x141: {  	s0 =	simm.s32 @!p0 $0xF  }
0x142: {  	_ =	swait.ge @!p0 [sflag:s0], s1  }
0x143: {  	s1 =	ssub.s32 @!p0 $0x0, s1;
	[sflag:s0] =	ssyncset.done @!p0 $0x0  }
0x144: {  	[sflag:s0] =	ssyncadd.s32 @!p0 s1  }
0x145: {  	[bflag:$0x3] =	sbarrier.arrive $0xFFFF  }
0x146: {  	_ =	shalt  }

</sc_bundles>
